<compile_context>
chip_gen: v7x
topology: tpu7x:2x2x1
jax: 0.10.2.dev20260603
libtpu: 0.0.44.dev20260713+nightly
codegen_flags: <defaults>
</compile_context>

<pallas_src>
import functools

import jax
import jax.numpy as jnp
from jax import lax
from jax.experimental import pallas as pl
from jax.experimental.pallas import tpu as pltpu
from jax.experimental.pallas import tpu_sc as plsc

N = 10000
E = 320000
D = 128
H = 32

NC = 2
NS = 16
NW = NC * NS
B = 128
NROW = E // B
RPB = NROW // NW
REM = NROW % NW
RPT = N // NS
NBUF = 4

_f32 = jnp.float32


def _seg_body(msg_h, src_h, dst_h, out0_h, out1_h, acc, src_v, dst_v, rows_v, sems):
    c = lax.axis_index("c")
    s = lax.axis_index("s")
    wid = c * NS + s
    n_ops = RPB + jnp.where(wid < REM, 1, 0)
    row_base = RPB * wid + jnp.minimum(wid, REM)

    zero16 = jnp.zeros((16,), _f32)

    def zrow(i, carry):
        rows_v[NBUF - 1, i, pl.ds(0, 16)] = zero16
        rows_v[NBUF - 1, i, pl.ds(16, 16)] = zero16
        return carry

    lax.fori_loop(0, B, zrow, 0)
    for k in range(RPT // B):
        pltpu.sync_copy(rows_v.at[NBUF - 1, pl.ds(0, B)],
                        acc.at[pl.ds(s * RPT + k * B, B)])
    if RPT % B:
        pltpu.sync_copy(rows_v.at[NBUF - 1, pl.ds(0, RPT % B)],
                        acc.at[pl.ds(s * RPT + (RPT // B) * B, RPT % B)])

    @pl.when(wid < REM)
    def _():
        pltpu.sync_copy(src_h.at[pl.ds(row_base, RPB + 1)], src_v)
        pltpu.sync_copy(dst_h.at[pl.ds(row_base, RPB + 1)], dst_v)

    @pl.when(wid >= REM)
    def _():
        pltpu.sync_copy(src_h.at[pl.ds(row_base, RPB)], src_v.at[pl.ds(0, RPB)])
        pltpu.sync_copy(dst_h.at[pl.ds(row_base, RPB)], dst_v.at[pl.ds(0, RPB)])

    plsc.subcore_barrier()

    def fire(g):
        buf = lax.rem(g, NBUF)
        pltpu.async_copy(msg_h.at[src_v.at[g]], rows_v.at[buf], sems.at[buf])

    for g0 in range(NBUF - 1):
        fire(jnp.int32(g0))

    def step(g, carry):
        @pl.when(g + (NBUF - 1) < n_ops)
        def _():
            fire(g + (NBUF - 1))

        buf = lax.rem(g, NBUF)
        pltpu.make_async_copy(msg_h.at[src_v.at[g]], rows_v.at[buf],
                              sems.at[buf]).wait()
        pltpu.sync_copy(rows_v.at[buf], acc.at[dst_v.at[g]], add=True)
        return carry

    lax.fori_loop(0, n_ops, step, 0)
    plsc.subcore_barrier()

    @pl.when(c == 0)
    def _():
        pltpu.sync_copy(acc.at[pl.ds(s * RPT, RPT)], out0_h.at[pl.ds(s * RPT, RPT)])

    @pl.when(c == 1)
    def _():
        pltpu.sync_copy(acc.at[pl.ds(s * RPT, RPT)], out1_h.at[pl.ds(s * RPT, RPT)])


_segsum = pl.kernel(
    _seg_body,
    out_type=(jax.ShapeDtypeStruct((N, H), _f32),
              jax.ShapeDtypeStruct((N, H), _f32)),
    mesh=plsc.VectorSubcoreMesh(core_axis_name="c", subcore_axis_name="s"),
    compiler_params=pltpu.CompilerParams(use_tc_tiling_on_sc=False),
    scratch_types=[
        pltpu.VMEM_SHARED((N, H), _f32),
        pltpu.VMEM((RPB + 1, B), jnp.int32),
        pltpu.VMEM((RPB + 1, B), jnp.int32),
        pltpu.VMEM((NBUF, B, H), _f32),
        pltpu.SemaphoreType.DMA((NBUF,)),
    ],
)


PK = 4
NP = N // PK
MBP = 256
_HI = jax.lax.Precision.HIGHEST


def _tc1_body(x_ref, wrel_ref, wroot_ref, y_ref, r_ref):
    xv = x_ref[...]
    ys = [jnp.dot(xv[:, q, :], wrel_ref[...], preferred_element_type=_f32, precision=_HI)
          for q in range(PK)]
    rs = [jnp.dot(xv[:, q, :], wroot_ref[...], preferred_element_type=_f32, precision=_HI)
          for q in range(PK)]
    y_ref[...] = jnp.concatenate(ys, axis=1)
    r_ref[...] = jnp.concatenate(rs, axis=1)


def _tc2_body(p0_ref, p1_ref, r_ref, b_ref, a_ref, wrel_ref, wroot_ref, y2_ref, r2_ref):
    pre = p0_ref[...] + p1_ref[...] + b_ref[...] + r_ref[...]
    h = jnp.where(pre > 0, pre, a_ref[...] * pre)
    y2_ref[...] = jnp.dot(h, wrel_ref[...], preferred_element_type=_f32, precision=_HI)
    r2_ref[...] = jnp.dot(h, wroot_ref[...], preferred_element_type=_f32, precision=_HI)


def _tc3_body(p0_ref, p1_ref, r2_ref, b_ref, a_ref, wpost_ref, bpost_ref, o_ref):
    pre = p0_ref[...] + p1_ref[...] + b_ref[...] + r2_ref[...]
    h2 = jnp.where(pre > 0, pre, a_ref[...] * pre)
    o_ref[...] = jnp.dot(h2, wpost_ref[...], preferred_element_type=_f32, precision=_HI) + bpost_ref[...]


_sds = jax.ShapeDtypeStruct
_full = lambda shape: pl.BlockSpec(shape, lambda i: (0,) * len(shape))
_rows = lambda shape: pl.BlockSpec((MBP,) + shape[1:], lambda i: (i,) + (0,) * (len(shape) - 1))
_prows = _rows((NP, PK * H))
_GRID = (NP + MBP - 1) // MBP

_tc1 = pl.pallas_call(
    _tc1_body,
    grid=(_GRID,),
    in_specs=[_rows((NP, PK, D)), _full((D, H)), _full((D, H))],
    out_specs=(_rows((NP, PK * H)), _rows((NP, PK * H))),
    out_shape=(_sds((NP, PK * H), _f32), _sds((NP, PK * H), _f32)),
)
_tc2 = pl.pallas_call(
    _tc2_body,
    grid=(_GRID,),
    in_specs=[_prows, _prows, _rows((NP, PK * H)), _full((1, PK * H)),
              _full((1, 1)), _full((PK * H, PK * H)), _full((PK * H, PK * H))],
    out_specs=(_rows((NP, PK * H)), _rows((NP, PK * H))),
    out_shape=(_sds((NP, PK * H), _f32), _sds((NP, PK * H), _f32)),
)
_tc3 = pl.pallas_call(
    _tc3_body,
    grid=(_GRID,),
    in_specs=[_prows, _prows, _rows((NP, PK * H)), _full((1, PK * H)),
              _full((1, 1)), _full((PK * H, PK)), _full((1, PK))],
    out_specs=_rows((NP, PK)),
    out_shape=_sds((NP, PK), _f32),
)


def _blkdiag(w):
    eye = jnp.eye(PK, dtype=w.dtype)
    return jnp.einsum("ab,km->akbm", eye, w).reshape(PK * H, PK * w.shape[1])


def kernel(x, edge_index, W_rel1, b_rel1, W_root1, a1, W_rel2, b_rel2, W_root2, a2, W_post, b_post):
    src = edge_index[0].astype(jnp.int32).reshape(NROW, B)
    dst = edge_index[1].astype(jnp.int32).reshape(NROW, B)
    x4 = x.reshape(NP, PK, D)
    b1 = jnp.tile(b_rel1, PK).reshape(1, PK * H)
    b2 = jnp.tile(b_rel2, PK).reshape(1, PK * H)
    a1v = a1.reshape(1, 1)
    a2v = a2.reshape(1, 1)
    bp = jnp.tile(b_post, PK).reshape(1, PK)
    wrel2 = _blkdiag(W_rel2)
    wroot2 = _blkdiag(W_root2)
    wpost = _blkdiag(W_post)

    y1p, r1p = _tc1(x4, W_rel1, W_root1)
    p1a, p1b = _segsum(y1p.reshape(N, H), src, dst)
    y2p, r2p = _tc2(p1a.reshape(NP, PK * H), p1b.reshape(NP, PK * H),
                    r1p, b1, a1v, wrel2, wroot2)
    p2a, p2b = _segsum(y2p.reshape(N, H), src, dst)
    outp = _tc3(p2a.reshape(NP, PK * H), p2b.reshape(NP, PK * H),
                r2p, b2, a2v, wpost, bp)
    return outp.reshape(N, 1)

# --- scband reference (transcript-rebuilt; emitter-appended) ---
"""Pipeline reference for scband-higher-order-gnn-10557029614296 (READ-ONLY COPY).

The authoritative reference and input builder live on the scoring server;
editing this copy changes nothing except your own understanding.
"""

import jax, jax.numpy as jnp
import numpy as np

N_NODES = 10000
N_EDGES = 320000
D_FEAT = 128
HIDDEN = 32
OUT = 1


def setup_inputs(seed: int = 0) -> dict:
    key = jax.random.key(seed)
    ks = jax.random.split(key, 12)
    x = jax.random.normal(ks[0], (N_NODES, D_FEAT), dtype=jnp.float32)
    edge_index = jax.random.randint(ks[1], (2, N_EDGES), 0, N_NODES, dtype=jnp.int64 if jax.config.jax_enable_x64 else jnp.int32)
    # GraphConv layer 1: lin_rel (with bias) applied to aggregated messages, lin_root (no bias) to x
    s1 = 1.0 / np.sqrt(D_FEAT)
    W_rel1 = jax.random.uniform(ks[2], (D_FEAT, HIDDEN), minval=-s1, maxval=s1, dtype=jnp.float32)
    b_rel1 = jax.random.uniform(ks[3], (HIDDEN,), minval=-s1, maxval=s1, dtype=jnp.float32)
    W_root1 = jax.random.uniform(ks[4], (D_FEAT, HIDDEN), minval=-s1, maxval=s1, dtype=jnp.float32)
    a1 = jnp.array(0.25, dtype=jnp.float32)  # PReLU weight
    s2 = 1.0 / np.sqrt(HIDDEN)
    W_rel2 = jax.random.uniform(ks[5], (HIDDEN, HIDDEN), minval=-s2, maxval=s2, dtype=jnp.float32)
    b_rel2 = jax.random.uniform(ks[6], (HIDDEN,), minval=-s2, maxval=s2, dtype=jnp.float32)
    W_root2 = jax.random.uniform(ks[7], (HIDDEN, HIDDEN), minval=-s2, maxval=s2, dtype=jnp.float32)
    a2 = jnp.array(0.25, dtype=jnp.float32)
    W_post = jax.random.uniform(ks[8], (HIDDEN, OUT), minval=-s2, maxval=s2, dtype=jnp.float32)
    b_post = jax.random.uniform(ks[9], (OUT,), minval=-s2, maxval=s2, dtype=jnp.float32)
    return {
        "x": x, "edge_index": edge_index,
        "W_rel1": W_rel1, "b_rel1": b_rel1, "W_root1": W_root1, "a1": a1,
        "W_rel2": W_rel2, "b_rel2": b_rel2, "W_root2": W_root2, "a2": a2,
        "W_post": W_post, "b_post": b_post,
    }


def prelu(h, a):
    return jnp.where(h > 0, h, a * h)


def reference(x, edge_index, W_rel1, b_rel1, W_root1, a1, W_rel2, b_rel2, W_root2, a2, W_post, b_post):
    n = x.shape[0]
    src = edge_index[0]
    dst = edge_index[1]
    # GraphConv layer 1: sum-aggregate neighbor features, then lin_rel(agg) + lin_root(x)
    agg1 = jax.ops.segment_sum(x[src], dst, num_segments=n)
    h = agg1 @ W_rel1 + b_rel1 + x @ W_root1
    h = prelu(h, a1)
    # GraphConv layer 2
    agg2 = jax.ops.segment_sum(h[src], dst, num_segments=n)
    h2 = agg2 @ W_rel2 + b_rel2 + h @ W_root2
    h2 = prelu(h2, a2)
    # node-level prediction (graph_level_prediction=False -> gpool is identity)
    out = h2 @ W_post + b_post
    return out

if __name__ == "__main__":
    import jax
    _d = setup_inputs()
    print(jax.jit(kernel)(*tuple(_d.values())))

</pallas_src>

<mosaic_0001>
#map = affine_map<(d0, d1) -> (0, 0)>
module attributes {stable_mosaic.version = 14 : i64} {
  func.func @_seg_body(%arg0: i32, %arg1: i32, %arg2: memref<10000x32xf32, #tpu.memory_space<hbm>>, %arg3: memref<2500x128xi32, #tpu.memory_space<hbm>>, %arg4: memref<2500x128xi32, #tpu.memory_space<hbm>>, %arg5: memref<10000x32xf32, #tpu.memory_space<hbm>>, %arg6: memref<10000x32xf32, #tpu.memory_space<hbm>>, %arg7: memref<10000x32xf32, #tpu.memory_space<vmem_shared>>, %arg8: memref<79x128xi32, #tpu.memory_space<vmem>>, %arg9: memref<79x128xi32, #tpu.memory_space<vmem>>, %arg10: memref<4x128x32xf32, #tpu.memory_space<vmem>>, %arg11: memref<4x!tpu.dma_semaphore, #tpu.memory_space<semaphore_mem>>) attributes {dimension_semantics = [#tpu.dimension_semantics<core_parallel>, #tpu.dimension_semantics<subcore_parallel>], iteration_bounds = array<i64: 2, 16>, scalar_prefetch = 0 : i64, scratch_operands = 5 : i64, tpu.core_type = #tpu.core_type<sc_vector_subcore>, window_params = [{transform_indices = #map}, {transform_indices = #map}, {transform_indices = #map}, {transform_indices = #map}, {transform_indices = #map}]} {
    %mul3A = arith.constant 16 : i32
    %mul3A_0 = arith.muli %arg0, %mul3A : i32
    %add3A = arith.addi %mul3A_0, %arg1 : i32
    %lt3A = arith.constant 4 : i32
    %lt3A_1 = arith.cmpi slt, %add3A, %lt3A : i32
    %jit3A = arith.constant 1 : i32
    %jit3A_2 = arith.constant 0 : i32
    %select_n3A = arith.select %lt3A_1, %jit3A, %jit3A_2 : i32
    %add3A_3 = arith.constant 78 : i32
    %add3A_4 = arith.addi %add3A_3, %select_n3A : i32
    %mul3A_5 = arith.constant 78 : i32
    %mul3A_6 = arith.muli %mul3A_5, %add3A : i32
    %min3A = arith.constant 4 : i32
    %min3A_7 = arith.minsi %add3A, %min3A : i32
    %add3A_8 = arith.addi %mul3A_6, %min3A_7 : i32
    %broadcast_in_dim3A = arith.constant 0.000000e+00 : f32
    %broadcast_in_dim3A_9 = vector.broadcast %broadcast_in_dim3A : f32 to vector<16xf32>
    %scan3A = arith.constant 0 : i32
    %scan3A_10 = arith.constant 0 : i32
    %scan3A_11 = arith.constant 128 : i32
    %scan3A_12 = arith.addi %scan3A_10, %scan3A_11 : i32
    %scan3A_13 = arith.constant 1 : i32
    scf.for %scan3A_111 = %scan3A_10 to %scan3A_12 step %scan3A_13  : i32 {
      %swap3A = arith.constant 3 : i32
      %swap3A_112 = arith.index_cast %swap3A : i32 to index
      %swap3A_113 = arith.index_cast %scan3A_111 : i32 to index
      %swap3A_114 = arith.constant 0 : index
      %swap3A_115 = tpu.vector_load %arg10[%swap3A_112, %swap3A_113, %swap3A_114] {strides = array<i32>} : memref<4x128x32xf32, #tpu.memory_space<vmem>>, vector<1x1x16xf32>,
      %swap3A_116 = vector.shape_cast %swap3A_115 : vector<1x1x16xf32> to vector<16xf32>
      %swap3A_117 = vector.shape_cast %broadcast_in_dim3A_9 : vector<16xf32> to vector<1x1x16xf32>
      tpu.vector_store %arg10[%swap3A_112, %swap3A_113, %swap3A_114], %swap3A_117 {strides = array<i32>} : memref<4x128x32xf32, #tpu.memory_space<vmem>>, vector<1x1x16xf32>,
      %swap3A_118 = arith.constant 3 : i32
      %swap3A_119 = arith.index_cast %swap3A_118 : i32 to index
      %swap3A_120 = arith.index_cast %scan3A_111 : i32 to index
      %swap3A_121 = arith.constant 16 : index
      %swap3A_122 = tpu.vector_load %arg10[%swap3A_119, %swap3A_120, %swap3A_121] {strides = array<i32>} : memref<4x128x32xf32, #tpu.memory_space<vmem>>, vector<1x1x16xf32>,
      %swap3A_123 = vector.shape_cast %swap3A_122 : vector<1x1x16xf32> to vector<16xf32>
      %swap3A_124 = vector.shape_cast %broadcast_in_dim3A_9 : vector<16xf32> to vector<1x1x16xf32>
      tpu.vector_store %arg10[%swap3A_119, %swap3A_120, %swap3A_121], %swap3A_124 {strides = array<i32>} : memref<4x128x32xf32, #tpu.memory_space<vmem>>, vector<1x1x16xf32>,
    }
    %scan3A_14 = arith.constant 128 : i32
    %mul3A_15 = arith.constant 625 : i32
    %mul3A_16 = arith.muli %arg1, %mul3A_15 : i32
    %add3A_17 = arith.constant 0 : i32
    %add3A_18 = arith.addi %mul3A_16, %add3A_17 : i32
    %run_scoped3A = arith.constant 3 : i32
    "tpu.region"() ({
      %run_scoped3A_111 = tpu.sem_alloc : memref<!tpu.dma_semaphore, #tpu.memory_space<semaphore_mem>>
      %dma_start3A_112 = arith.constant 0 : i32
      %dma_start3A_113 = arith.constant 0 : i32
      %dma_start3A_114 = tpu.memref_slice %arg10[%run_scoped3A, %dma_start3A_112, %dma_start3A_113] : memref<4x128x32xf32, #tpu.memory_space<vmem>> -> memref<1x128x32xf32, #tpu.memory_space<vmem>>
      %dma_start3A_115 = tpu.memref_squeeze %dma_start3A_114 : memref<1x128x32xf32, #tpu.memory_space<vmem>> -> memref<128x32xf32, #tpu.memory_space<vmem>>
      %dma_start3A_116 = arith.constant 0 : i32
      %dma_start3A_117 = tpu.memref_slice %arg7[%add3A_18, %dma_start3A_116] : memref<10000x32xf32, #tpu.memory_space<vmem_shared>> -> memref<128x32xf32, #tpu.memory_space<vmem_shared>>
      %dma_start3A_118 = arith.constant 0 : i32
      %dma_start3A_119 = tpu.memref_slice %arg7[%add3A_18, %dma_start3A_118] : memref<10000x32xf32, #tpu.memory_space<vmem_shared>> -> memref<128x32xf32, #tpu.memory_space<vmem_shared>>
      %dma_start3A_120 = arith.constant 0 : i32
      %dma_start3A_121 = arith.constant 0 : i32
      %dma_start3A_122 = tpu.memref_slice %arg10[%run_scoped3A, %dma_start3A_120, %dma_start3A_121] : memref<4x128x32xf32, #tpu.memory_space<vmem>> -> memref<1x128x32xf32, #tpu.memory_space<vmem>>
      %dma_start3A_123 = tpu.memref_squeeze %dma_start3A_122 : memref<1x128x32xf32, #tpu.memory_space<vmem>> -> memref<128x32xf32, #tpu.memory_space<vmem>>
      tpu.enqueue_dma source(%dma_start3A_123 : memref<128x32xf32, #tpu.memory_space<vmem>>) target(%dma_start3A_119 : memref<128x32xf32, #tpu.memory_space<vmem_shared>>) target_semaphore(%run_scoped3A_111 : memref<!tpu.dma_semaphore, #tpu.memory_space<semaphore_mem>>)
      %dma_wait3A = arith.constant 0 : i32
      %dma_wait3A_124 = arith.constant 0 : i32
      %dma_wait3A_125 = tpu.memref_slice %arg10[%run_scoped3A, %dma_wait3A, %dma_wait3A_124] : memref<4x128x32xf32, #tpu.memory_space<vmem>> -> memref<1x128x32xf32, #tpu.memory_space<vmem>>
      %dma_wait3A_126 = tpu.memref_squeeze %dma_wait3A_125 : memref<1x128x32xf32, #tpu.memory_space<vmem>> -> memref<128x32xf32, #tpu.memory_space<vmem>>
      %dma_wait3A_127 = arith.constant 0 : i32
      %dma_wait3A_128 = tpu.memref_slice %arg7[%add3A_18, %dma_wait3A_127] : memref<10000x32xf32, #tpu.memory_space<vmem_shared>> -> memref<128x32xf32, #tpu.memory_space<vmem_shared>>
      %dma_wait3A_129 = arith.constant 0 : i32
      %dma_wait3A_130 = tpu.memref_slice %arg7[%add3A_18, %dma_wait3A_129] : memref<10000x32xf32, #tpu.memory_space<vmem_shared>> -> memref<128x32xf32, #tpu.memory_space<vmem_shared>>
      %dma_wait3A_131 = arith.constant 0 : i32
      %dma_wait3A_132 = arith.constant 0 : i32
      %dma_wait3A_133 = tpu.memref_slice %arg10[%run_scoped3A, %dma_wait3A_131, %dma_wait3A_132] : memref<4x128x32xf32, #tpu.memory_space<vmem>> -> memref<1x128x32xf32, #tpu.memory_space<vmem>>
      %dma_wait3A_134 = tpu.memref_squeeze %dma_wait3A_133 : memref<1x128x32xf32, #tpu.memory_space<vmem>> -> memref<128x32xf32, #tpu.memory_space<vmem>>
      tpu.wait_dma2 semaphore(%run_scoped3A_111 : memref<!tpu.dma_semaphore, #tpu.memory_space<semaphore_mem>>) src(%dma_wait3A_134 : memref<128x32xf32, #tpu.memory_space<vmem>>) dst(%dma_wait3A_130 : memref<128x32xf32, #tpu.memory_space<vmem_shared>>)
      tpu.yield
    }) : () -> ()
    %mul3A_19 = arith.constant 625 : i32
    %mul3A_20 = arith.muli %arg1, %mul3A_19 : i32
    %add3A_21 = arith.constant 128 : i32
    %add3A_22 = arith.addi %mul3A_20, %add3A_21 : i32
    %run_scoped3A_23 = arith.constant 3 : i32
    "tpu.region"() ({
      %run_scoped3A_111 = tpu.sem_alloc : memref<!tpu.dma_semaphore, #tpu.memory_space<semaphore_mem>>
      %dma_start3A_112 = arith.constant 0 : i32
      %dma_start3A_113 = arith.constant 0 : i32
      %dma_start3A_114 = tpu.memref_slice %arg10[%run_scoped3A_23, %dma_start3A_112, %dma_start3A_113] : memref<4x128x32xf32, #tpu.memory_space<vmem>> -> memref<1x128x32xf32, #tpu.memory_space<vmem>>
      %dma_start3A_115 = tpu.memref_squeeze %dma_start3A_114 : memref<1x128x32xf32, #tpu.memory_space<vmem>> -> memref<128x32xf32, #tpu.memory_space<vmem>>
      %dma_start3A_116 = arith.constant 0 : i32
      %dma_start3A_117 = tpu.memref_slice %arg7[%add3A_22, %dma_start3A_116] : memref<10000x32xf32, #tpu.memory_space<vmem_shared>> -> memref<128x32xf32, #tpu.memory_space<vmem_shared>>
      %dma_start3A_118 = arith.constant 0 : i32
      %dma_start3A_119 = tpu.memref_slice %arg7[%add3A_22, %dma_start3A_118] : memref<10000x32xf32, #tpu.memory_space<vmem_shared>> -> memref<128x32xf32, #tpu.memory_space<vmem_shared>>
      %dma_start3A_120 = arith.constant 0 : i32
      %dma_start3A_121 = arith.constant 0 : i32
      %dma_start3A_122 = tpu.memref_slice %arg10[%run_scoped3A_23, %dma_start3A_120, %dma_start3A_121] : memref<4x128x32xf32, #tpu.memory_space<vmem>> -> memref<1x128x32xf32, #tpu.memory_space<vmem>>
      %dma_start3A_123 = tpu.memref_squeeze %dma_start3A_122 : memref<1x128x32xf32, #tpu.memory_space<vmem>> -> memref<128x32xf32, #tpu.memory_space<vmem>>
      tpu.enqueue_dma source(%dma_start3A_123 : memref<128x32xf32, #tpu.memory_space<vmem>>) target(%dma_start3A_119 : memref<128x32xf32, #tpu.memory_space<vmem_shared>>) target_semaphore(%run_scoped3A_111 : memref<!tpu.dma_semaphore, #tpu.memory_space<semaphore_mem>>)
      %dma_wait3A = arith.constant 0 : i32
      %dma_wait3A_124 = arith.constant 0 : i32
      %dma_wait3A_125 = tpu.memref_slice %arg10[%run_scoped3A_23, %dma_wait3A, %dma_wait3A_124] : memref<4x128x32xf32, #tpu.memory_space<vmem>> -> memref<1x128x32xf32, #tpu.memory_space<vmem>>
      %dma_wait3A_126 = tpu.memref_squeeze %dma_wait3A_125 : memref<1x128x32xf32, #tpu.memory_space<vmem>> -> memref<128x32xf32, #tpu.memory_space<vmem>>
      %dma_wait3A_127 = arith.constant 0 : i32
      %dma_wait3A_128 = tpu.memref_slice %arg7[%add3A_22, %dma_wait3A_127] : memref<10000x32xf32, #tpu.memory_space<vmem_shared>> -> memref<128x32xf32, #tpu.memory_space<vmem_shared>>
      %dma_wait3A_129 = arith.constant 0 : i32
      %dma_wait3A_130 = tpu.memref_slice %arg7[%add3A_22, %dma_wait3A_129] : memref<10000x32xf32, #tpu.memory_space<vmem_shared>> -> memref<128x32xf32, #tpu.memory_space<vmem_shared>>
      %dma_wait3A_131 = arith.constant 0 : i32
      %dma_wait3A_132 = arith.constant 0 : i32
      %dma_wait3A_133 = tpu.memref_slice %arg10[%run_scoped3A_23, %dma_wait3A_131, %dma_wait3A_132] : memref<4x128x32xf32, #tpu.memory_space<vmem>> -> memref<1x128x32xf32, #tpu.memory_space<vmem>>
      %dma_wait3A_134 = tpu.memref_squeeze %dma_wait3A_133 : memref<1x128x32xf32, #tpu.memory_space<vmem>> -> memref<128x32xf32, #tpu.memory_space<vmem>>
      tpu.wait_dma2 semaphore(%run_scoped3A_111 : memref<!tpu.dma_semaphore, #tpu.memory_space<semaphore_mem>>) src(%dma_wait3A_134 : memref<128x32xf32, #tpu.memory_space<vmem>>) dst(%dma_wait3A_130 : memref<128x32xf32, #tpu.memory_space<vmem_shared>>)
      tpu.yield
    }) : () -> ()
    %mul3A_24 = arith.constant 625 : i32
    %mul3A_25 = arith.muli %arg1, %mul3A_24 : i32
    %add3A_26 = arith.constant 256 : i32
    %add3A_27 = arith.addi %mul3A_25, %add3A_26 : i32
    %run_scoped3A_28 = arith.constant 3 : i32
    "tpu.region"() ({
      %run_scoped3A_111 = tpu.sem_alloc : memref<!tpu.dma_semaphore, #tpu.memory_space<semaphore_mem>>
      %dma_start3A_112 = arith.constant 0 : i32
      %dma_start3A_113 = arith.constant 0 : i32
      %dma_start3A_114 = tpu.memref_slice %arg10[%run_scoped3A_28, %dma_start3A_112, %dma_start3A_113] : memref<4x128x32xf32, #tpu.memory_space<vmem>> -> memref<1x128x32xf32, #tpu.memory_space<vmem>>
      %dma_start3A_115 = tpu.memref_squeeze %dma_start3A_114 : memref<1x128x32xf32, #tpu.memory_space<vmem>> -> memref<128x32xf32, #tpu.memory_space<vmem>>
      %dma_start3A_116 = arith.constant 0 : i32
      %dma_start3A_117 = tpu.memref_slice %arg7[%add3A_27, %dma_start3A_116] : memref<10000x32xf32, #tpu.memory_space<vmem_shared>> -> memref<128x32xf32, #tpu.memory_space<vmem_shared>>
      %dma_start3A_118 = arith.constant 0 : i32
      %dma_start3A_119 = tpu.memref_slice %arg7[%add3A_27, %dma_start3A_118] : memref<10000x32xf32, #tpu.memory_space<vmem_shared>> -> memref<128x32xf32, #tpu.memory_space<vmem_shared>>
      %dma_start3A_120 = arith.constant 0 : i32
      %dma_start3A_121 = arith.constant 0 : i32
      %dma_start3A_122 = tpu.memref_slice %arg10[%run_scoped3A_28, %dma_start3A_120, %dma_start3A_121] : memref<4x128x32xf32, #tpu.memory_space<vmem>> -> memref<1x128x32xf32, #tpu.memory_space<vmem>>
      %dma_start3A_123 = tpu.memref_squeeze %dma_start3A_122 : memref<1x128x32xf32, #tpu.memory_space<vmem>> -> memref<128x32xf32, #tpu.memory_space<vmem>>
      tpu.enqueue_dma source(%dma_start3A_123 : memref<128x32xf32, #tpu.memory_space<vmem>>) target(%dma_start3A_119 : memref<128x32xf32, #tpu.memory_space<vmem_shared>>) target_semaphore(%run_scoped3A_111 : memref<!tpu.dma_semaphore, #tpu.memory_space<semaphore_mem>>)
      %dma_wait3A = arith.constant 0 : i32
      %dma_wait3A_124 = arith.constant 0 : i32
      %dma_wait3A_125 = tpu.memref_slice %arg10[%run_scoped3A_28, %dma_wait3A, %dma_wait3A_124] : memref<4x128x32xf32, #tpu.memory_space<vmem>> -> memref<1x128x32xf32, #tpu.memory_space<vmem>>
      %dma_wait3A_126 = tpu.memref_squeeze %dma_wait3A_125 : memref<1x128x32xf32, #tpu.memory_space<vmem>> -> memref<128x32xf32, #tpu.memory_space<vmem>>
      %dma_wait3A_127 = arith.constant 0 : i32
      %dma_wait3A_128 = tpu.memref_slice %arg7[%add3A_27, %dma_wait3A_127] : memref<10000x32xf32, #tpu.memory_space<vmem_shared>> -> memref<128x32xf32, #tpu.memory_space<vmem_shared>>
      %dma_wait3A_129 = arith.constant 0 : i32
      %dma_wait3A_130 = tpu.memref_slice %arg7[%add3A_27, %dma_wait3A_129] : memref<10000x32xf32, #tpu.memory_space<vmem_shared>> -> memref<128x32xf32, #tpu.memory_space<vmem_shared>>
      %dma_wait3A_131 = arith.constant 0 : i32
      %dma_wait3A_132 = arith.constant 0 : i32
      %dma_wait3A_133 = tpu.memref_slice %arg10[%run_scoped3A_28, %dma_wait3A_131, %dma_wait3A_132] : memref<4x128x32xf32, #tpu.memory_space<vmem>> -> memref<1x128x32xf32, #tpu.memory_space<vmem>>
      %dma_wait3A_134 = tpu.memref_squeeze %dma_wait3A_133 : memref<1x128x32xf32, #tpu.memory_space<vmem>> -> memref<128x32xf32, #tpu.memory_space<vmem>>
      tpu.wait_dma2 semaphore(%run_scoped3A_111 : memref<!tpu.dma_semaphore, #tpu.memory_space<semaphore_mem>>) src(%dma_wait3A_134 : memref<128x32xf32, #tpu.memory_space<vmem>>) dst(%dma_wait3A_130 : memref<128x32xf32, #tpu.memory_space<vmem_shared>>)
      tpu.yield
    }) : () -> ()
    %mul3A_29 = arith.constant 625 : i32
    %mul3A_30 = arith.muli %arg1, %mul3A_29 : i32
    %add3A_31 = arith.constant 384 : i32
    %add3A_32 = arith.addi %mul3A_30, %add3A_31 : i32
    %run_scoped3A_33 = arith.constant 3 : i32
    "tpu.region"() ({
      %run_scoped3A_111 = tpu.sem_alloc : memref<!tpu.dma_semaphore, #tpu.memory_space<semaphore_mem>>
      %dma_start3A_112 = arith.constant 0 : i32
      %dma_start3A_113 = arith.constant 0 : i32
      %dma_start3A_114 = tpu.memref_slice %arg10[%run_scoped3A_33, %dma_start3A_112, %dma_start3A_113] : memref<4x128x32xf32, #tpu.memory_space<vmem>> -> memref<1x128x32xf32, #tpu.memory_space<vmem>>
      %dma_start3A_115 = tpu.memref_squeeze %dma_start3A_114 : memref<1x128x32xf32, #tpu.memory_space<vmem>> -> memref<128x32xf32, #tpu.memory_space<vmem>>
      %dma_start3A_116 = arith.constant 0 : i32
      %dma_start3A_117 = tpu.memref_slice %arg7[%add3A_32, %dma_start3A_116] : memref<10000x32xf32, #tpu.memory_space<vmem_shared>> -> memref<128x32xf32, #tpu.memory_space<vmem_shared>>
      %dma_start3A_118 = arith.constant 0 : i32
      %dma_start3A_119 = tpu.memref_slice %arg7[%add3A_32, %dma_start3A_118] : memref<10000x32xf32, #tpu.memory_space<vmem_shared>> -> memref<128x32xf32, #tpu.memory_space<vmem_shared>>
      %dma_start3A_120 = arith.constant 0 : i32
      %dma_start3A_121 = arith.constant 0 : i32
      %dma_start3A_122 = tpu.memref_slice %arg10[%run_scoped3A_33, %dma_start3A_120, %dma_start3A_121] : memref<4x128x32xf32, #tpu.memory_space<vmem>> -> memref<1x128x32xf32, #tpu.memory_space<vmem>>
      %dma_start3A_123 = tpu.memref_squeeze %dma_start3A_122 : memref<1x128x32xf32, #tpu.memory_space<vmem>> -> memref<128x32xf32, #tpu.memory_space<vmem>>
      tpu.enqueue_dma source(%dma_start3A_123 : memref<128x32xf32, #tpu.memory_space<vmem>>) target(%dma_start3A_119 : memref<128x32xf32, #tpu.memory_space<vmem_shared>>) target_semaphore(%run_scoped3A_111 : memref<!tpu.dma_semaphore, #tpu.memory_space<semaphore_mem>>)
      %dma_wait3A = arith.constant 0 : i32
      %dma_wait3A_124 = arith.constant 0 : i32
      %dma_wait3A_125 = tpu.memref_slice %arg10[%run_scoped3A_33, %dma_wait3A, %dma_wait3A_124] : memref<4x128x32xf32, #tpu.memory_space<vmem>> -> memref<1x128x32xf32, #tpu.memory_space<vmem>>
      %dma_wait3A_126 = tpu.memref_squeeze %dma_wait3A_125 : memref<1x128x32xf32, #tpu.memory_space<vmem>> -> memref<128x32xf32, #tpu.memory_space<vmem>>
      %dma_wait3A_127 = arith.constant 0 : i32
      %dma_wait3A_128 = tpu.memref_slice %arg7[%add3A_32, %dma_wait3A_127] : memref<10000x32xf32, #tpu.memory_space<vmem_shared>> -> memref<128x32xf32, #tpu.memory_space<vmem_shared>>
      %dma_wait3A_129 = arith.constant 0 : i32
      %dma_wait3A_130 = tpu.memref_slice %arg7[%add3A_32, %dma_wait3A_129] : memref<10000x32xf32, #tpu.memory_space<vmem_shared>> -> memref<128x32xf32, #tpu.memory_space<vmem_shared>>
      %dma_wait3A_131 = arith.constant 0 : i32
      %dma_wait3A_132 = arith.constant 0 : i32
      %dma_wait3A_133 = tpu.memref_slice %arg10[%run_scoped3A_33, %dma_wait3A_131, %dma_wait3A_132] : memref<4x128x32xf32, #tpu.memory_space<vmem>> -> memref<1x128x32xf32, #tpu.memory_space<vmem>>
      %dma_wait3A_134 = tpu.memref_squeeze %dma_wait3A_133 : memref<1x128x32xf32, #tpu.memory_space<vmem>> -> memref<128x32xf32, #tpu.memory_space<vmem>>
      tpu.wait_dma2 semaphore(%run_scoped3A_111 : memref<!tpu.dma_semaphore, #tpu.memory_space<semaphore_mem>>) src(%dma_wait3A_134 : memref<128x32xf32, #tpu.memory_space<vmem>>) dst(%dma_wait3A_130 : memref<128x32xf32, #tpu.memory_space<vmem_shared>>)
      tpu.yield
    }) : () -> ()
    %mul3A_34 = arith.constant 625 : i32
    %mul3A_35 = arith.muli %arg1, %mul3A_34 : i32
    %add3A_36 = arith.constant 512 : i32
    %add3A_37 = arith.addi %mul3A_35, %add3A_36 : i32
    %run_scoped3A_38 = arith.constant 3 : i32
    "tpu.region"() ({
      %run_scoped3A_111 = tpu.sem_alloc : memref<!tpu.dma_semaphore, #tpu.memory_space<semaphore_mem>>
      %dma_start3A_112 = arith.constant 0 : i32
      %dma_start3A_113 = arith.constant 0 : i32
      %dma_start3A_114 = tpu.memref_slice %arg10[%run_scoped3A_38, %dma_start3A_112, %dma_start3A_113] : memref<4x128x32xf32, #tpu.memory_space<vmem>> -> memref<1x113x32xf32, #tpu.memory_space<vmem>>
      %dma_start3A_115 = tpu.memref_squeeze %dma_start3A_114 : memref<1x113x32xf32, #tpu.memory_space<vmem>> -> memref<113x32xf32, #tpu.memory_space<vmem>>
      %dma_start3A_116 = arith.constant 0 : i32
      %dma_start3A_117 = tpu.memref_slice %arg7[%add3A_37, %dma_start3A_116] : memref<10000x32xf32, #tpu.memory_space<vmem_shared>> -> memref<113x32xf32, #tpu.memory_space<vmem_shared>>
      %dma_start3A_118 = arith.constant 0 : i32
      %dma_start3A_119 = tpu.memref_slice %arg7[%add3A_37, %dma_start3A_118] : memref<10000x32xf32, #tpu.memory_space<vmem_shared>> -> memref<113x32xf32, #tpu.memory_space<vmem_shared>>
      %dma_start3A_120 = arith.constant 0 : i32
      %dma_start3A_121 = arith.constant 0 : i32
      %dma_start3A_122 = tpu.memref_slice %arg10[%run_scoped3A_38, %dma_start3A_120, %dma_start3A_121] : memref<4x128x32xf32, #tpu.memory_space<vmem>> -> memref<1x113x32xf32, #tpu.memory_space<vmem>>
      %dma_start3A_123 = tpu.memref_squeeze %dma_start3A_122 : memref<1x113x32xf32, #tpu.memory_space<vmem>> -> memref<113x32xf32, #tpu.memory_space<vmem>>
      tpu.enqueue_dma source(%dma_start3A_123 : memref<113x32xf32, #tpu.memory_space<vmem>>) target(%dma_start3A_119 : memref<113x32xf32, #tpu.memory_space<vmem_shared>>) target_semaphore(%run_scoped3A_111 : memref<!tpu.dma_semaphore, #tpu.memory_space<semaphore_mem>>)
      %dma_wait3A = arith.constant 0 : i32
      %dma_wait3A_124 = arith.constant 0 : i32
      %dma_wait3A_125 = tpu.memref_slice %arg10[%run_scoped3A_38, %dma_wait3A, %dma_wait3A_124] : memref<4x128x32xf32, #tpu.memory_space<vmem>> -> memref<1x113x32xf32, #tpu.memory_space<vmem>>
      %dma_wait3A_126 = tpu.memref_squeeze %dma_wait3A_125 : memref<1x113x32xf32, #tpu.memory_space<vmem>> -> memref<113x32xf32, #tpu.memory_space<vmem>>
      %dma_wait3A_127 = arith.constant 0 : i32
      %dma_wait3A_128 = tpu.memref_slice %arg7[%add3A_37, %dma_wait3A_127] : memref<10000x32xf32, #tpu.memory_space<vmem_shared>> -> memref<113x32xf32, #tpu.memory_space<vmem_shared>>
      %dma_wait3A_129 = arith.constant 0 : i32
      %dma_wait3A_130 = tpu.memref_slice %arg7[%add3A_37, %dma_wait3A_129] : memref<10000x32xf32, #tpu.memory_space<vmem_shared>> -> memref<113x32xf32, #tpu.memory_space<vmem_shared>>
      %dma_wait3A_131 = arith.constant 0 : i32
      %dma_wait3A_132 = arith.constant 0 : i32
      %dma_wait3A_133 = tpu.memref_slice %arg10[%run_scoped3A_38, %dma_wait3A_131, %dma_wait3A_132] : memref<4x128x32xf32, #tpu.memory_space<vmem>> -> memref<1x113x32xf32, #tpu.memory_space<vmem>>
      %dma_wait3A_134 = tpu.memref_squeeze %dma_wait3A_133 : memref<1x113x32xf32, #tpu.memory_space<vmem>> -> memref<113x32xf32, #tpu.memory_space<vmem>>
      tpu.wait_dma2 semaphore(%run_scoped3A_111 : memref<!tpu.dma_semaphore, #tpu.memory_space<semaphore_mem>>) src(%dma_wait3A_134 : memref<113x32xf32, #tpu.memory_space<vmem>>) dst(%dma_wait3A_130 : memref<113x32xf32, #tpu.memory_space<vmem_shared>>)
      tpu.yield
    }) : () -> ()
    %lt3A_39 = arith.constant 4 : i32
    %lt3A_40 = arith.cmpi slt, %add3A, %lt3A_39 : i32
    %convert_element_type3A = arith.extui %lt3A_40 : i1 to i32
    %cond3A = arith.constant 0 : i32
    %cond3A_41 = arith.cmpi ne, %convert_element_type3A, %cond3A : i32
    scf.if %cond3A_41 {
      "tpu.region"() ({
        %run_scoped3A_111 = tpu.sem_alloc : memref<!tpu.dma_semaphore, #tpu.memory_space<semaphore_mem>>
        %dma_start3A_112 = arith.constant 0 : i32
        %dma_start3A_113 = tpu.memref_slice %arg3[%add3A_8, %dma_start3A_112] : memref<2500x128xi32, #tpu.memory_space<hbm>> -> memref<79x128xi32, #tpu.memory_space<hbm>>
        %dma_start3A_114 = arith.constant 0 : i32
        %dma_start3A_115 = tpu.memref_slice %arg3[%add3A_8, %dma_start3A_114] : memref<2500x128xi32, #tpu.memory_space<hbm>> -> memref<79x128xi32, #tpu.memory_space<hbm>>
        tpu.enqueue_dma source(%dma_start3A_115 : memref<79x128xi32, #tpu.memory_space<hbm>>) target(%arg8 : memref<79x128xi32, #tpu.memory_space<vmem>>) target_semaphore(%run_scoped3A_111 : memref<!tpu.dma_semaphore, #tpu.memory_space<semaphore_mem>>)
        %dma_wait3A = arith.constant 0 : i32
        %dma_wait3A_116 = tpu.memref_slice %arg3[%add3A_8, %dma_wait3A] : memref<2500x128xi32, #tpu.memory_space<hbm>> -> memref<79x128xi32, #tpu.memory_space<hbm>>
        %dma_wait3A_117 = arith.constant 0 : i32
        %dma_wait3A_118 = tpu.memref_slice %arg3[%add3A_8, %dma_wait3A_117] : memref<2500x128xi32, #tpu.memory_space<hbm>> -> memref<79x128xi32, #tpu.memory_space<hbm>>
        tpu.wait_dma2 semaphore(%run_scoped3A_111 : memref<!tpu.dma_semaphore, #tpu.memory_space<semaphore_mem>>) src(%dma_wait3A_118 : memref<79x128xi32, #tpu.memory_space<hbm>>) dst(%arg8 : memref<79x128xi32, #tpu.memory_space<vmem>>)
        tpu.yield
      }) : () -> ()
      "tpu.region"() ({
        %run_scoped3A_111 = tpu.sem_alloc : memref<!tpu.dma_semaphore, #tpu.memory_space<semaphore_mem>>
        %dma_start3A_112 = arith.constant 0 : i32
        %dma_start3A_113 = tpu.memref_slice %arg4[%add3A_8, %dma_start3A_112] : memref<2500x128xi32, #tpu.memory_space<hbm>> -> memref<79x128xi32, #tpu.memory_space<hbm>>
        %dma_start3A_114 = arith.constant 0 : i32
        %dma_start3A_115 = tpu.memref_slice %arg4[%add3A_8, %dma_start3A_114] : memref<2500x128xi32, #tpu.memory_space<hbm>> -> memref<79x128xi32, #tpu.memory_space<hbm>>
        tpu.enqueue_dma source(%dma_start3A_115 : memref<79x128xi32, #tpu.memory_space<hbm>>) target(%arg9 : memref<79x128xi32, #tpu.memory_space<vmem>>) target_semaphore(%run_scoped3A_111 : memref<!tpu.dma_semaphore, #tpu.memory_space<semaphore_mem>>)
        %dma_wait3A = arith.constant 0 : i32
        %dma_wait3A_116 = tpu.memref_slice %arg4[%add3A_8, %dma_wait3A] : memref<2500x128xi32, #tpu.memory_space<hbm>> -> memref<79x128xi32, #tpu.memory_space<hbm>>
        %dma_wait3A_117 = arith.constant 0 : i32
        %dma_wait3A_118 = tpu.memref_slice %arg4[%add3A_8, %dma_wait3A_117] : memref<2500x128xi32, #tpu.memory_space<hbm>> -> memref<79x128xi32, #tpu.memory_space<hbm>>
        tpu.wait_dma2 semaphore(%run_scoped3A_111 : memref<!tpu.dma_semaphore, #tpu.memory_space<semaphore_mem>>) src(%dma_wait3A_118 : memref<79x128xi32, #tpu.memory_space<hbm>>) dst(%arg9 : memref<79x128xi32, #tpu.memory_space<vmem>>)
        tpu.yield
      }) : () -> ()
    } else {
    }
    %ge3A = arith.constant 4 : i32
    %ge3A_42 = arith.cmpi sge, %add3A, %ge3A : i32
    %convert_element_type3A_43 = arith.extui %ge3A_42 : i1 to i32
    %cond3A_44 = arith.constant 0 : i32
    %cond3A_45 = arith.cmpi ne, %convert_element_type3A_43, %cond3A_44 : i32
    scf.if %cond3A_45 {
      "tpu.region"() ({
        %run_scoped3A_111 = tpu.sem_alloc : memref<!tpu.dma_semaphore, #tpu.memory_space<semaphore_mem>>
        %dma_start3A_112 = arith.constant 0 : i32
        %dma_start3A_113 = arith.constant 0 : i32
        %dma_start3A_114 = tpu.memref_slice %arg8[%dma_start3A_112, %dma_start3A_113] : memref<79x128xi32, #tpu.memory_space<vmem>> -> memref<78x128xi32, #tpu.memory_space<vmem>>
        %dma_start3A_115 = arith.constant 0 : i32
        %dma_start3A_116 = tpu.memref_slice %arg3[%add3A_8, %dma_start3A_115] : memref<2500x128xi32, #tpu.memory_space<hbm>> -> memref<78x128xi32, #tpu.memory_space<hbm>>
        %dma_start3A_117 = arith.constant 0 : i32
        %dma_start3A_118 = arith.constant 0 : i32
        %dma_start3A_119 = tpu.memref_slice %arg8[%dma_start3A_117, %dma_start3A_118] : memref<79x128xi32, #tpu.memory_space<vmem>> -> memref<78x128xi32, #tpu.memory_space<vmem>>
        %dma_start3A_120 = arith.constant 0 : i32
        %dma_start3A_121 = tpu.memref_slice %arg3[%add3A_8, %dma_start3A_120] : memref<2500x128xi32, #tpu.memory_space<hbm>> -> memref<78x128xi32, #tpu.memory_space<hbm>>
        tpu.enqueue_dma source(%dma_start3A_121 : memref<78x128xi32, #tpu.memory_space<hbm>>) target(%dma_start3A_119 : memref<78x128xi32, #tpu.memory_space<vmem>>) target_semaphore(%run_scoped3A_111 : memref<!tpu.dma_semaphore, #tpu.memory_space<semaphore_mem>>)
        %dma_wait3A = arith.constant 0 : i32
        %dma_wait3A_122 = arith.constant 0 : i32
        %dma_wait3A_123 = tpu.memref_slice %arg8[%dma_wait3A, %dma_wait3A_122] : memref<79x128xi32, #tpu.memory_space<vmem>> -> memref<78x128xi32, #tpu.memory_space<vmem>>
        %dma_wait3A_124 = arith.constant 0 : i32
        %dma_wait3A_125 = tpu.memref_slice %arg3[%add3A_8, %dma_wait3A_124] : memref<2500x128xi32, #tpu.memory_space<hbm>> -> memref<78x128xi32, #tpu.memory_space<hbm>>
        %dma_wait3A_126 = arith.constant 0 : i32
        %dma_wait3A_127 = arith.constant 0 : i32
        %dma_wait3A_128 = tpu.memref_slice %arg8[%dma_wait3A_126, %dma_wait3A_127] : memref<79x128xi32, #tpu.memory_space<vmem>> -> memref<78x128xi32, #tpu.memory_space<vmem>>
        %dma_wait3A_129 = arith.constant 0 : i32
        %dma_wait3A_130 = tpu.memref_slice %arg3[%add3A_8, %dma_wait3A_129] : memref<2500x128xi32, #tpu.memory_space<hbm>> -> memref<78x128xi32, #tpu.memory_space<hbm>>
        tpu.wait_dma2 semaphore(%run_scoped3A_111 : memref<!tpu.dma_semaphore, #tpu.memory_space<semaphore_mem>>) src(%dma_wait3A_130 : memref<78x128xi32, #tpu.memory_space<hbm>>) dst(%dma_wait3A_128 : memref<78x128xi32, #tpu.memory_space<vmem>>)
        tpu.yield
      }) : () -> ()
      "tpu.region"() ({
        %run_scoped3A_111 = tpu.sem_alloc : memref<!tpu.dma_semaphore, #tpu.memory_space<semaphore_mem>>
        %dma_start3A_112 = arith.constant 0 : i32
        %dma_start3A_113 = arith.constant 0 : i32
        %dma_start3A_114 = tpu.memref_slice %arg9[%dma_start3A_112, %dma_start3A_113] : memref<79x128xi32, #tpu.memory_space<vmem>> -> memref<78x128xi32, #tpu.memory_space<vmem>>
        %dma_start3A_115 = arith.constant 0 : i32
        %dma_start3A_116 = tpu.memref_slice %arg4[%add3A_8, %dma_start3A_115] : memref<2500x128xi32, #tpu.memory_space<hbm>> -> memref<78x128xi32, #tpu.memory_space<hbm>>
        %dma_start3A_117 = arith.constant 0 : i32
        %dma_start3A_118 = arith.constant 0 : i32
        %dma_start3A_119 = tpu.memref_slice %arg9[%dma_start3A_117, %dma_start3A_118] : memref<79x128xi32, #tpu.memory_space<vmem>> -> memref<78x128xi32, #tpu.memory_space<vmem>>
        %dma_start3A_120 = arith.constant 0 : i32
        %dma_start3A_121 = tpu.memref_slice %arg4[%add3A_8, %dma_start3A_120] : memref<2500x128xi32, #tpu.memory_space<hbm>> -> memref<78x128xi32, #tpu.memory_space<hbm>>
        tpu.enqueue_dma source(%dma_start3A_121 : memref<78x128xi32, #tpu.memory_space<hbm>>) target(%dma_start3A_119 : memref<78x128xi32, #tpu.memory_space<vmem>>) target_semaphore(%run_scoped3A_111 : memref<!tpu.dma_semaphore, #tpu.memory_space<semaphore_mem>>)
        %dma_wait3A = arith.constant 0 : i32
        %dma_wait3A_122 = arith.constant 0 : i32
        %dma_wait3A_123 = tpu.memref_slice %arg9[%dma_wait3A, %dma_wait3A_122] : memref<79x128xi32, #tpu.memory_space<vmem>> -> memref<78x128xi32, #tpu.memory_space<vmem>>
        %dma_wait3A_124 = arith.constant 0 : i32
        %dma_wait3A_125 = tpu.memref_slice %arg4[%add3A_8, %dma_wait3A_124] : memref<2500x128xi32, #tpu.memory_space<hbm>> -> memref<78x128xi32, #tpu.memory_space<hbm>>
        %dma_wait3A_126 = arith.constant 0 : i32
        %dma_wait3A_127 = arith.constant 0 : i32
        %dma_wait3A_128 = tpu.memref_slice %arg9[%dma_wait3A_126, %dma_wait3A_127] : memref<79x128xi32, #tpu.memory_space<vmem>> -> memref<78x128xi32, #tpu.memory_space<vmem>>
        %dma_wait3A_129 = arith.constant 0 : i32
        %dma_wait3A_130 = tpu.memref_slice %arg4[%add3A_8, %dma_wait3A_129] : memref<2500x128xi32, #tpu.memory_space<hbm>> -> memref<78x128xi32, #tpu.memory_space<hbm>>
        tpu.wait_dma2 semaphore(%run_scoped3A_111 : memref<!tpu.dma_semaphore, #tpu.memory_space<semaphore_mem>>) src(%dma_wait3A_130 : memref<78x128xi32, #tpu.memory_space<hbm>>) dst(%dma_wait3A_128 : memref<78x128xi32, #tpu.memory_space<vmem>>)
        tpu.yield
      }) : () -> ()
    } else {
    }
    %barrier3A = arith.constant 0 : index
    tpu.barrier barrier_id(%barrier3A)
    %rem3A = arith.constant 0 : i32
    %rem3A_46 = arith.constant 4 : i32
    %rem3A_47 = arith.remsi %rem3A, %rem3A_46 : i32
    %dma_start3A = arith.constant 0 : i32
    %dma_start3A_48 = arith.constant 0 : i32
    %dma_start3A_49 = arith.constant 0 : i32
    %dma_start3A_50 = tpu.memref_slice %arg10[%rem3A_47, %dma_start3A_48, %dma_start3A_49] : memref<4x128x32xf32, #tpu.memory_space<vmem>> -> memref<1x128x32xf32, #tpu.memory_space<vmem>>
    %dma_start3A_51 = tpu.memref_squeeze %dma_start3A_50 : memref<1x128x32xf32, #tpu.memory_space<vmem>> -> memref<128x32xf32, #tpu.memory_space<vmem>>
    %dma_start3A_52 = arith.constant 0 : i32
    %dma_start3A_53 = tpu.memref_slice %arg8[%dma_start3A, %dma_start3A_52] : memref<79x128xi32, #tpu.memory_space<vmem>> -> memref<1x128xi32, #tpu.memory_space<vmem>>
    %dma_start3A_54 = tpu.memref_squeeze %dma_start3A_53 : memref<1x128xi32, #tpu.memory_space<vmem>> -> memref<128xi32, #tpu.memory_space<vmem>>
    %dma_start3A_55 = arith.constant 0 : i32
    %dma_start3A_56 = arith.constant 0 : i32
    %dma_start3A_57 = tpu.memref_slice %arg2[%dma_start3A_55, %dma_start3A_56] : memref<10000x32xf32, #tpu.memory_space<hbm>> -> memref<10000x32xf32, #tpu.memory_space<hbm>>
    %dma_start3A_58 = tpu.memref_slice %arg11[%rem3A_47] : memref<4x!tpu.dma_semaphore, #tpu.memory_space<semaphore_mem>> -> memref<1x!tpu.dma_semaphore, #tpu.memory_space<semaphore_mem>>
    %dma_start3A_59 = tpu.memref_squeeze %dma_start3A_58 : memref<1x!tpu.dma_semaphore, #tpu.memory_space<semaphore_mem>> -> memref<!tpu.dma_semaphore, #tpu.memory_space<semaphore_mem>>
    tpu.enqueue_indirect_dma source(%dma_start3A_57 : memref<10000x32xf32, #tpu.memory_space<hbm>>) target(%dma_start3A_51 : memref<128x32xf32, #tpu.memory_space<vmem>>) offsets(%dma_start3A_54 : memref<128xi32, #tpu.memory_space<vmem>>) semaphore(%dma_start3A_59 : memref<!tpu.dma_semaphore, #tpu.memory_space<semaphore_mem>>)
    %rem3A_60 = arith.constant 1 : i32
    %rem3A_61 = arith.constant 4 : i32
    %rem3A_62 = arith.remsi %rem3A_60, %rem3A_61 : i32
    %dma_start3A_63 = arith.constant 1 : i32
    %dma_start3A_64 = arith.constant 0 : i32
    %dma_start3A_65 = arith.constant 0 : i32
    %dma_start3A_66 = tpu.memref_slice %arg10[%rem3A_62, %dma_start3A_64, %dma_start3A_65] : memref<4x128x32xf32, #tpu.memory_space<vmem>> -> memref<1x128x32xf32, #tpu.memory_space<vmem>>
    %dma_start3A_67 = tpu.memref_squeeze %dma_start3A_66 : memref<1x128x32xf32, #tpu.memory_space<vmem>> -> memref<128x32xf32, #tpu.memory_space<vmem>>
    %dma_start3A_68 = arith.constant 0 : i32
    %dma_start3A_69 = tpu.memref_slice %arg8[%dma_start3A_63, %dma_start3A_68] : memref<79x128xi32, #tpu.memory_space<vmem>> -> memref<1x128xi32, #tpu.memory_space<vmem>>
    %dma_start3A_70 = tpu.memref_squeeze %dma_start3A_69 : memref<1x128xi32, #tpu.memory_space<vmem>> -> memref<128xi32, #tpu.memory_space<vmem>>
    %dma_start3A_71 = arith.constant 0 : i32
    %dma_start3A_72 = arith.constant 0 : i32
    %dma_start3A_73 = tpu.memref_slice %arg2[%dma_start3A_71, %dma_start3A_72] : memref<10000x32xf32, #tpu.memory_space<hbm>> -> memref<10000x32xf32, #tpu.memory_space<hbm>>
    %dma_start3A_74 = tpu.memref_slice %arg11[%rem3A_62] : memref<4x!tpu.dma_semaphore, #tpu.memory_space<semaphore_mem>> -> memref<1x!tpu.dma_semaphore, #tpu.memory_space<semaphore_mem>>
    %dma_start3A_75 = tpu.memref_squeeze %dma_start3A_74 : memref<1x!tpu.dma_semaphore, #tpu.memory_space<semaphore_mem>> -> memref<!tpu.dma_semaphore, #tpu.memory_space<semaphore_mem>>
    tpu.enqueue_indirect_dma source(%dma_start3A_73 : memref<10000x32xf32, #tpu.memory_space<hbm>>) target(%dma_start3A_67 : memref<128x32xf32, #tpu.memory_space<vmem>>) offsets(%dma_start3A_70 : memref<128xi32, #tpu.memory_space<vmem>>) semaphore(%dma_start3A_75 : memref<!tpu.dma_semaphore, #tpu.memory_space<semaphore_mem>>)
    %rem3A_76 = arith.constant 2 : i32
    %rem3A_77 = arith.constant 4 : i32
    %rem3A_78 = arith.remsi %rem3A_76, %rem3A_77 : i32
    %dma_start3A_79 = arith.constant 2 : i32
    %dma_start3A_80 = arith.constant 0 : i32
    %dma_start3A_81 = arith.constant 0 : i32
    %dma_start3A_82 = tpu.memref_slice %arg10[%rem3A_78, %dma_start3A_80, %dma_start3A_81] : memref<4x128x32xf32, #tpu.memory_space<vmem>> -> memref<1x128x32xf32, #tpu.memory_space<vmem>>
    %dma_start3A_83 = tpu.memref_squeeze %dma_start3A_82 : memref<1x128x32xf32, #tpu.memory_space<vmem>> -> memref<128x32xf32, #tpu.memory_space<vmem>>
    %dma_start3A_84 = arith.constant 0 : i32
    %dma_start3A_85 = tpu.memref_slice %arg8[%dma_start3A_79, %dma_start3A_84] : memref<79x128xi32, #tpu.memory_space<vmem>> -> memref<1x128xi32, #tpu.memory_space<vmem>>
    %dma_start3A_86 = tpu.memref_squeeze %dma_start3A_85 : memref<1x128xi32, #tpu.memory_space<vmem>> -> memref<128xi32, #tpu.memory_space<vmem>>
    %dma_start3A_87 = arith.constant 0 : i32
    %dma_start3A_88 = arith.constant 0 : i32
    %dma_start3A_89 = tpu.memref_slice %arg2[%dma_start3A_87, %dma_start3A_88] : memref<10000x32xf32, #tpu.memory_space<hbm>> -> memref<10000x32xf32, #tpu.memory_space<hbm>>
    %dma_start3A_90 = tpu.memref_slice %arg11[%rem3A_78] : memref<4x!tpu.dma_semaphore, #tpu.memory_space<semaphore_mem>> -> memref<1x!tpu.dma_semaphore, #tpu.memory_space<semaphore_mem>>
    %dma_start3A_91 = tpu.memref_squeeze %dma_start3A_90 : memref<1x!tpu.dma_semaphore, #tpu.memory_space<semaphore_mem>> -> memref<!tpu.dma_semaphore, #tpu.memory_space<semaphore_mem>>
    tpu.enqueue_indirect_dma source(%dma_start3A_89 : memref<10000x32xf32, #tpu.memory_space<hbm>>) target(%dma_start3A_83 : memref<128x32xf32, #tpu.memory_space<vmem>>) offsets(%dma_start3A_86 : memref<128xi32, #tpu.memory_space<vmem>>) semaphore(%dma_start3A_91 : memref<!tpu.dma_semaphore, #tpu.memory_space<semaphore_mem>>)
    %while3A = arith.constant 0 : i32
    %while3A_92 = arith.constant 0 : i32
    %while3A_93 = arith.subi %add3A_4, %while3A_92 : i32
    %while3A_94 = arith.addi %while3A_92, %while3A_93 : i32
    %while3A_95 = arith.constant 1 : i32
    %while3A_96 = arith.divsi %while3A_93, %while3A_95 : i32
    %while3A_97 = arith.muli %while3A_96, %while3A_95 : i32
    %while3A_98 = arith.addi %while3A_92, %while3A_97 : i32
    %while3A_99 = arith.constant 1 : i32
    scf.for %while3A_111 = %while3A_92 to %while3A_98 step %while3A_99  : i32 {
      %add3A_112 = arith.constant 3 : i32
      %add3A_113 = arith.addi %while3A_111, %add3A_112 : i32
      %lt3A_114 = arith.cmpi slt, %add3A_113, %add3A_4 : i32
      %convert_element_type3A_115 = arith.extui %lt3A_114 : i1 to i32
      %cond3A_116 = arith.constant 0 : i32
      %cond3A_117 = arith.cmpi ne, %convert_element_type3A_115, %cond3A_116 : i32
      scf.if %cond3A_117 {
        %add3A_131 = arith.constant 3 : i32
        %add3A_132 = arith.addi %while3A_111, %add3A_131 : i32
        %rem3A_133 = arith.constant 4 : i32
        %rem3A_134 = arith.remsi %add3A_132, %rem3A_133 : i32
        %dma_start3A_135 = arith.constant 0 : i32
        %dma_start3A_136 = arith.constant 0 : i32
        %dma_start3A_137 = tpu.memref_slice %arg10[%rem3A_134, %dma_start3A_135, %dma_start3A_136] : memref<4x128x32xf32, #tpu.memory_space<vmem>> -> memref<1x128x32xf32, #tpu.memory_space<vmem>>
        %dma_start3A_138 = tpu.memref_squeeze %dma_start3A_137 : memref<1x128x32xf32, #tpu.memory_space<vmem>> -> memref<128x32xf32, #tpu.memory_space<vmem>>
        %dma_start3A_139 = arith.constant 0 : i32
        %dma_start3A_140 = tpu.memref_slice %arg8[%add3A_132, %dma_start3A_139] : memref<79x128xi32, #tpu.memory_space<vmem>> -> memref<1x128xi32, #tpu.memory_space<vmem>>
        %dma_start3A_141 = tpu.memref_squeeze %dma_start3A_140 : memref<1x128xi32, #tpu.memory_space<vmem>> -> memref<128xi32, #tpu.memory_space<vmem>>
        %dma_start3A_142 = arith.constant 0 : i32
        %dma_start3A_143 = arith.constant 0 : i32
        %dma_start3A_144 = tpu.memref_slice %arg2[%dma_start3A_142, %dma_start3A_143] : memref<10000x32xf32, #tpu.memory_space<hbm>> -> memref<10000x32xf32, #tpu.memory_space<hbm>>
        %dma_start3A_145 = tpu.memref_slice %arg11[%rem3A_134] : memref<4x!tpu.dma_semaphore, #tpu.memory_space<semaphore_mem>> -> memref<1x!tpu.dma_semaphore, #tpu.memory_space<semaphore_mem>>
        %dma_start3A_146 = tpu.memref_squeeze %dma_start3A_145 : memref<1x!tpu.dma_semaphore, #tpu.memory_space<semaphore_mem>> -> memref<!tpu.dma_semaphore, #tpu.memory_space<semaphore_mem>>
        tpu.enqueue_indirect_dma source(%dma_start3A_144 : memref<10000x32xf32, #tpu.memory_space<hbm>>) target(%dma_start3A_138 : memref<128x32xf32, #tpu.memory_space<vmem>>) offsets(%dma_start3A_141 : memref<128xi32, #tpu.memory_space<vmem>>) semaphore(%dma_start3A_146 : memref<!tpu.dma_semaphore, #tpu.memory_space<semaphore_mem>>)
      } else {
      }
      %rem3A_118 = arith.constant 4 : i32
      %rem3A_119 = arith.remsi %while3A_111, %rem3A_118 : i32
      %dma_wait3A = arith.constant 0 : i32
      %dma_wait3A_120 = arith.constant 0 : i32
      %dma_wait3A_121 = tpu.memref_slice %arg10[%rem3A_119, %dma_wait3A, %dma_wait3A_120] : memref<4x128x32xf32, #tpu.memory_space<vmem>> -> memref<1x128x32xf32, #tpu.memory_space<vmem>>
      %dma_wait3A_122 = tpu.memref_squeeze %dma_wait3A_121 : memref<1x128x32xf32, #tpu.memory_space<vmem>> -> memref<128x32xf32, #tpu.memory_space<vmem>>
      %dma_wait3A_123 = arith.constant 0 : i32
      %dma_wait3A_124 = tpu.memref_slice %arg8[%while3A_111, %dma_wait3A_123] : memref<79x128xi32, #tpu.memory_space<vmem>> -> memref<1x128xi32, #tpu.memory_space<vmem>>
      %dma_wait3A_125 = tpu.memref_squeeze %dma_wait3A_124 : memref<1x128xi32, #tpu.memory_space<vmem>> -> memref<128xi32, #tpu.memory_space<vmem>>
      %dma_wait3A_126 = arith.constant 0 : i32
      %dma_wait3A_127 = arith.constant 0 : i32
      %dma_wait3A_128 = tpu.memref_slice %arg2[%dma_wait3A_126, %dma_wait3A_127] : memref<10000x32xf32, #tpu.memory_space<hbm>> -> memref<10000x32xf32, #tpu.memory_space<hbm>>
      %dma_wait3A_129 = tpu.memref_slice %arg11[%rem3A_119] : memref<4x!tpu.dma_semaphore, #tpu.memory_space<semaphore_mem>> -> memref<1x!tpu.dma_semaphore, #tpu.memory_space<semaphore_mem>>
      %dma_wait3A_130 = tpu.memref_squeeze %dma_wait3A_129 : memref<1x!tpu.dma_semaphore, #tpu.memory_space<semaphore_mem>> -> memref<!tpu.dma_semaphore, #tpu.memory_space<semaphore_mem>>
      tpu.wait_indirect_dma semaphore(%dma_wait3A_130 : memref<!tpu.dma_semaphore, #tpu.memory_space<semaphore_mem>>) src(%dma_wait3A_128 : memref<10000x32xf32, #tpu.memory_space<hbm>>) dst(%dma_wait3A_122 : memref<128x32xf32, #tpu.memory_space<vmem>>)
      "tpu.region"() ({
        %run_scoped3A_131 = tpu.sem_alloc : memref<!tpu.dma_semaphore, #tpu.memory_space<semaphore_mem>>
        %dma_start3A_132 = arith.constant 0 : i32
        %dma_start3A_133 = arith.constant 0 : i32
        %dma_start3A_134 = tpu.memref_slice %arg10[%rem3A_119, %dma_start3A_132, %dma_start3A_133] : memref<4x128x32xf32, #tpu.memory_space<vmem>> -> memref<1x128x32xf32, #tpu.memory_space<vmem>>
        %dma_start3A_135 = tpu.memref_squeeze %dma_start3A_134 : memref<1x128x32xf32, #tpu.memory_space<vmem>> -> memref<128x32xf32, #tpu.memory_space<vmem>>
        %dma_start3A_136 = arith.constant 0 : i32
        %dma_start3A_137 = tpu.memref_slice %arg9[%while3A_111, %dma_start3A_136] : memref<79x128xi32, #tpu.memory_space<vmem>> -> memref<1x128xi32, #tpu.memory_space<vmem>>
        %dma_start3A_138 = tpu.memref_squeeze %dma_start3A_137 : memref<1x128xi32, #tpu.memory_space<vmem>> -> memref<128xi32, #tpu.memory_space<vmem>>
        %dma_start3A_139 = arith.constant 0 : i32
        %dma_start3A_140 = arith.constant 0 : i32
        %dma_start3A_141 = tpu.memref_slice %arg7[%dma_start3A_139, %dma_start3A_140] : memref<10000x32xf32, #tpu.memory_space<vmem_shared>> -> memref<10000x32xf32, #tpu.memory_space<vmem_shared>>
        tpu.enqueue_indirect_dma source(%dma_start3A_135 : memref<128x32xf32, #tpu.memory_space<vmem>>) target(%dma_start3A_141 : memref<10000x32xf32, #tpu.memory_space<vmem_shared>>) offsets(%dma_start3A_138 : memref<128xi32, #tpu.memory_space<vmem>>) semaphore(%run_scoped3A_131 : memref<!tpu.dma_semaphore, #tpu.memory_space<semaphore_mem>>) {add = true}
        %dma_wait3A_142 = arith.constant 0 : i32
        %dma_wait3A_143 = arith.constant 0 : i32
        %dma_wait3A_144 = tpu.memref_slice %arg10[%rem3A_119, %dma_wait3A_142, %dma_wait3A_143] : memref<4x128x32xf32, #tpu.memory_space<vmem>> -> memref<1x128x32xf32, #tpu.memory_space<vmem>>
        %dma_wait3A_145 = tpu.memref_squeeze %dma_wait3A_144 : memref<1x128x32xf32, #tpu.memory_space<vmem>> -> memref<128x32xf32, #tpu.memory_space<vmem>>
        %dma_wait3A_146 = arith.constant 0 : i32
        %dma_wait3A_147 = tpu.memref_slice %arg9[%while3A_111, %dma_wait3A_146] : memref<79x128xi32, #tpu.memory_space<vmem>> -> memref<1x128xi32, #tpu.memory_space<vmem>>
        %dma_wait3A_148 = tpu.memref_squeeze %dma_wait3A_147 : memref<1x128xi32, #tpu.memory_space<vmem>> -> memref<128xi32, #tpu.memory_space<vmem>>
        %dma_wait3A_149 = arith.constant 0 : i32
        %dma_wait3A_150 = arith.constant 0 : i32
        %dma_wait3A_151 = tpu.memref_slice %arg7[%dma_wait3A_149, %dma_wait3A_150] : memref<10000x32xf32, #tpu.memory_space<vmem_shared>> -> memref<10000x32xf32, #tpu.memory_space<vmem_shared>>
        tpu.wait_indirect_dma semaphore(%run_scoped3A_131 : memref<!tpu.dma_semaphore, #tpu.memory_space<semaphore_mem>>) src(%dma_wait3A_145 : memref<128x32xf32, #tpu.memory_space<vmem>>) dst(%dma_wait3A_151 : memref<10000x32xf32, #tpu.memory_space<vmem_shared>>)
        tpu.yield
      }) : () -> ()
    }
    %while3A_100 = arith.constant 1 : i32
    scf.for %while3A_111 = %while3A_98 to %while3A_94 step %while3A_100  : i32 {
      %add3A_112 = arith.constant 3 : i32
      %add3A_113 = arith.addi %while3A_111, %add3A_112 : i32
      %lt3A_114 = arith.cmpi slt, %add3A_113, %add3A_4 : i32
      %convert_element_type3A_115 = arith.extui %lt3A_114 : i1 to i32
      %cond3A_116 = arith.constant 0 : i32
      %cond3A_117 = arith.cmpi ne, %convert_element_type3A_115, %cond3A_116 : i32
      scf.if %cond3A_117 {
        %add3A_131 = arith.constant 3 : i32
        %add3A_132 = arith.addi %while3A_111, %add3A_131 : i32
        %rem3A_133 = arith.constant 4 : i32
        %rem3A_134 = arith.remsi %add3A_132, %rem3A_133 : i32
        %dma_start3A_135 = arith.constant 0 : i32
        %dma_start3A_136 = arith.constant 0 : i32
        %dma_start3A_137 = tpu.memref_slice %arg10[%rem3A_134, %dma_start3A_135, %dma_start3A_136] : memref<4x128x32xf32, #tpu.memory_space<vmem>> -> memref<1x128x32xf32, #tpu.memory_space<vmem>>
        %dma_start3A_138 = tpu.memref_squeeze %dma_start3A_137 : memref<1x128x32xf32, #tpu.memory_space<vmem>> -> memref<128x32xf32, #tpu.memory_space<vmem>>
        %dma_start3A_139 = arith.constant 0 : i32
        %dma_start3A_140 = tpu.memref_slice %arg8[%add3A_132, %dma_start3A_139] : memref<79x128xi32, #tpu.memory_space<vmem>> -> memref<1x128xi32, #tpu.memory_space<vmem>>
        %dma_start3A_141 = tpu.memref_squeeze %dma_start3A_140 : memref<1x128xi32, #tpu.memory_space<vmem>> -> memref<128xi32, #tpu.memory_space<vmem>>
        %dma_start3A_142 = arith.constant 0 : i32
        %dma_start3A_143 = arith.constant 0 : i32
        %dma_start3A_144 = tpu.memref_slice %arg2[%dma_start3A_142, %dma_start3A_143] : memref<10000x32xf32, #tpu.memory_space<hbm>> -> memref<10000x32xf32, #tpu.memory_space<hbm>>
        %dma_start3A_145 = tpu.memref_slice %arg11[%rem3A_134] : memref<4x!tpu.dma_semaphore, #tpu.memory_space<semaphore_mem>> -> memref<1x!tpu.dma_semaphore, #tpu.memory_space<semaphore_mem>>
        %dma_start3A_146 = tpu.memref_squeeze %dma_start3A_145 : memref<1x!tpu.dma_semaphore, #tpu.memory_space<semaphore_mem>> -> memref<!tpu.dma_semaphore, #tpu.memory_space<semaphore_mem>>
        tpu.enqueue_indirect_dma source(%dma_start3A_144 : memref<10000x32xf32, #tpu.memory_space<hbm>>) target(%dma_start3A_138 : memref<128x32xf32, #tpu.memory_space<vmem>>) offsets(%dma_start3A_141 : memref<128xi32, #tpu.memory_space<vmem>>) semaphore(%dma_start3A_146 : memref<!tpu.dma_semaphore, #tpu.memory_space<semaphore_mem>>)
      } else {
      }
      %rem3A_118 = arith.constant 4 : i32
      %rem3A_119 = arith.remsi %while3A_111, %rem3A_118 : i32
      %dma_wait3A = arith.constant 0 : i32
      %dma_wait3A_120 = arith.constant 0 : i32
      %dma_wait3A_121 = tpu.memref_slice %arg10[%rem3A_119, %dma_wait3A, %dma_wait3A_120] : memref<4x128x32xf32, #tpu.memory_space<vmem>> -> memref<1x128x32xf32, #tpu.memory_space<vmem>>
      %dma_wait3A_122 = tpu.memref_squeeze %dma_wait3A_121 : memref<1x128x32xf32, #tpu.memory_space<vmem>> -> memref<128x32xf32, #tpu.memory_space<vmem>>
      %dma_wait3A_123 = arith.constant 0 : i32
      %dma_wait3A_124 = tpu.memref_slice %arg8[%while3A_111, %dma_wait3A_123] : memref<79x128xi32, #tpu.memory_space<vmem>> -> memref<1x128xi32, #tpu.memory_space<vmem>>
      %dma_wait3A_125 = tpu.memref_squeeze %dma_wait3A_124 : memref<1x128xi32, #tpu.memory_space<vmem>> -> memref<128xi32, #tpu.memory_space<vmem>>
      %dma_wait3A_126 = arith.constant 0 : i32
      %dma_wait3A_127 = arith.constant 0 : i32
      %dma_wait3A_128 = tpu.memref_slice %arg2[%dma_wait3A_126, %dma_wait3A_127] : memref<10000x32xf32, #tpu.memory_space<hbm>> -> memref<10000x32xf32, #tpu.memory_space<hbm>>
      %dma_wait3A_129 = tpu.memref_slice %arg11[%rem3A_119] : memref<4x!tpu.dma_semaphore, #tpu.memory_space<semaphore_mem>> -> memref<1x!tpu.dma_semaphore, #tpu.memory_space<semaphore_mem>>
      %dma_wait3A_130 = tpu.memref_squeeze %dma_wait3A_129 : memref<1x!tpu.dma_semaphore, #tpu.memory_space<semaphore_mem>> -> memref<!tpu.dma_semaphore, #tpu.memory_space<semaphore_mem>>
      tpu.wait_indirect_dma semaphore(%dma_wait3A_130 : memref<!tpu.dma_semaphore, #tpu.memory_space<semaphore_mem>>) src(%dma_wait3A_128 : memref<10000x32xf32, #tpu.memory_space<hbm>>) dst(%dma_wait3A_122 : memref<128x32xf32, #tpu.memory_space<vmem>>)
      "tpu.region"() ({
        %run_scoped3A_131 = tpu.sem_alloc : memref<!tpu.dma_semaphore, #tpu.memory_space<semaphore_mem>>
        %dma_start3A_132 = arith.constant 0 : i32
        %dma_start3A_133 = arith.constant 0 : i32
        %dma_start3A_134 = tpu.memref_slice %arg10[%rem3A_119, %dma_start3A_132, %dma_start3A_133] : memref<4x128x32xf32, #tpu.memory_space<vmem>> -> memref<1x128x32xf32, #tpu.memory_space<vmem>>
        %dma_start3A_135 = tpu.memref_squeeze %dma_start3A_134 : memref<1x128x32xf32, #tpu.memory_space<vmem>> -> memref<128x32xf32, #tpu.memory_space<vmem>>
        %dma_start3A_136 = arith.constant 0 : i32
        %dma_start3A_137 = tpu.memref_slice %arg9[%while3A_111, %dma_start3A_136] : memref<79x128xi32, #tpu.memory_space<vmem>> -> memref<1x128xi32, #tpu.memory_space<vmem>>
        %dma_start3A_138 = tpu.memref_squeeze %dma_start3A_137 : memref<1x128xi32, #tpu.memory_space<vmem>> -> memref<128xi32, #tpu.memory_space<vmem>>
        %dma_start3A_139 = arith.constant 0 : i32
        %dma_start3A_140 = arith.constant 0 : i32
        %dma_start3A_141 = tpu.memref_slice %arg7[%dma_start3A_139, %dma_start3A_140] : memref<10000x32xf32, #tpu.memory_space<vmem_shared>> -> memref<10000x32xf32, #tpu.memory_space<vmem_shared>>
        tpu.enqueue_indirect_dma source(%dma_start3A_135 : memref<128x32xf32, #tpu.memory_space<vmem>>) target(%dma_start3A_141 : memref<10000x32xf32, #tpu.memory_space<vmem_shared>>) offsets(%dma_start3A_138 : memref<128xi32, #tpu.memory_space<vmem>>) semaphore(%run_scoped3A_131 : memref<!tpu.dma_semaphore, #tpu.memory_space<semaphore_mem>>) {add = true}
        %dma_wait3A_142 = arith.constant 0 : i32
        %dma_wait3A_143 = arith.constant 0 : i32
        %dma_wait3A_144 = tpu.memref_slice %arg10[%rem3A_119, %dma_wait3A_142, %dma_wait3A_143] : memref<4x128x32xf32, #tpu.memory_space<vmem>> -> memref<1x128x32xf32, #tpu.memory_space<vmem>>
        %dma_wait3A_145 = tpu.memref_squeeze %dma_wait3A_144 : memref<1x128x32xf32, #tpu.memory_space<vmem>> -> memref<128x32xf32, #tpu.memory_space<vmem>>
        %dma_wait3A_146 = arith.constant 0 : i32
        %dma_wait3A_147 = tpu.memref_slice %arg9[%while3A_111, %dma_wait3A_146] : memref<79x128xi32, #tpu.memory_space<vmem>> -> memref<1x128xi32, #tpu.memory_space<vmem>>
        %dma_wait3A_148 = tpu.memref_squeeze %dma_wait3A_147 : memref<1x128xi32, #tpu.memory_space<vmem>> -> memref<128xi32, #tpu.memory_space<vmem>>
        %dma_wait3A_149 = arith.constant 0 : i32
        %dma_wait3A_150 = arith.constant 0 : i32
        %dma_wait3A_151 = tpu.memref_slice %arg7[%dma_wait3A_149, %dma_wait3A_150] : memref<10000x32xf32, #tpu.memory_space<vmem_shared>> -> memref<10000x32xf32, #tpu.memory_space<vmem_shared>>
        tpu.wait_indirect_dma semaphore(%run_scoped3A_131 : memref<!tpu.dma_semaphore, #tpu.memory_space<semaphore_mem>>) src(%dma_wait3A_145 : memref<128x32xf32, #tpu.memory_space<vmem>>) dst(%dma_wait3A_151 : memref<10000x32xf32, #tpu.memory_space<vmem_shared>>)
        tpu.yield
      }) : () -> ()
    }
    %barrier3A_101 = arith.constant 0 : index
    tpu.barrier barrier_id(%barrier3A_101)
    %eq3A = arith.constant 0 : i32
    %eq3A_102 = arith.cmpi eq, %arg0, %eq3A : i32
    %convert_element_type3A_103 = arith.extui %eq3A_102 : i1 to i32
    %cond3A_104 = arith.constant 0 : i32
    %cond3A_105 = arith.cmpi ne, %convert_element_type3A_103, %cond3A_104 : i32
    scf.if %cond3A_105 {
      %mul3A_111 = arith.constant 625 : i32
      %mul3A_112 = arith.muli %arg1, %mul3A_111 : i32
      %mul3A_113 = arith.constant 625 : i32
      %mul3A_114 = arith.muli %arg1, %mul3A_113 : i32
      "tpu.region"() ({
        %run_scoped3A_115 = tpu.sem_alloc : memref<!tpu.dma_semaphore, #tpu.memory_space<semaphore_mem>>
        %dma_start3A_116 = arith.constant 0 : i32
        %dma_start3A_117 = tpu.memref_slice %arg5[%mul3A_114, %dma_start3A_116] : memref<10000x32xf32, #tpu.memory_space<hbm>> -> memref<625x32xf32, #tpu.memory_space<hbm>>
        %dma_start3A_118 = arith.constant 0 : i32
        %dma_start3A_119 = tpu.memref_slice %arg7[%mul3A_112, %dma_start3A_118] : memref<10000x32xf32, #tpu.memory_space<vmem_shared>> -> memref<625x32xf32, #tpu.memory_space<vmem_shared>>
        tpu.enqueue_dma source(%dma_start3A_119 : memref<625x32xf32, #tpu.memory_space<vmem_shared>>) target(%dma_start3A_117 : memref<625x32xf32, #tpu.memory_space<hbm>>) target_semaphore(%run_scoped3A_115 : memref<!tpu.dma_semaphore, #tpu.memory_space<semaphore_mem>>)
        %dma_wait3A = arith.constant 0 : i32
        %dma_wait3A_120 = tpu.memref_slice %arg5[%mul3A_114, %dma_wait3A] : memref<10000x32xf32, #tpu.memory_space<hbm>> -> memref<625x32xf32, #tpu.memory_space<hbm>>
        %dma_wait3A_121 = arith.constant 0 : i32
        %dma_wait3A_122 = tpu.memref_slice %arg7[%mul3A_112, %dma_wait3A_121] : memref<10000x32xf32, #tpu.memory_space<vmem_shared>> -> memref<625x32xf32, #tpu.memory_space<vmem_shared>>
        tpu.wait_dma2 semaphore(%run_scoped3A_115 : memref<!tpu.dma_semaphore, #tpu.memory_space<semaphore_mem>>) src(%dma_wait3A_122 : memref<625x32xf32, #tpu.memory_space<vmem_shared>>) dst(%dma_wait3A_120 : memref<625x32xf32, #tpu.memory_space<hbm>>)
        tpu.yield
      }) : () -> ()
    } else {
    }
    %eq3A_106 = arith.constant 1 : i32
    %eq3A_107 = arith.cmpi eq, %arg0, %eq3A_106 : i32
    %convert_element_type3A_108 = arith.extui %eq3A_107 : i1 to i32
    %cond3A_109 = arith.constant 0 : i32
    %cond3A_110 = arith.cmpi ne, %convert_element_type3A_108, %cond3A_109 : i32
    scf.if %cond3A_110 {
      %mul3A_111 = arith.constant 625 : i32
      %mul3A_112 = arith.muli %arg1, %mul3A_111 : i32
      %mul3A_113 = arith.constant 625 : i32
      %mul3A_114 = arith.muli %arg1, %mul3A_113 : i32
      "tpu.region"() ({
        %run_scoped3A_115 = tpu.sem_alloc : memref<!tpu.dma_semaphore, #tpu.memory_space<semaphore_mem>>
        %dma_start3A_116 = arith.constant 0 : i32
        %dma_start3A_117 = tpu.memref_slice %arg6[%mul3A_114, %dma_start3A_116] : memref<10000x32xf32, #tpu.memory_space<hbm>> -> memref<625x32xf32, #tpu.memory_space<hbm>>
        %dma_start3A_118 = arith.constant 0 : i32
        %dma_start3A_119 = tpu.memref_slice %arg7[%mul3A_112, %dma_start3A_118] : memref<10000x32xf32, #tpu.memory_space<vmem_shared>> -> memref<625x32xf32, #tpu.memory_space<vmem_shared>>
        tpu.enqueue_dma source(%dma_start3A_119 : memref<625x32xf32, #tpu.memory_space<vmem_shared>>) target(%dma_start3A_117 : memref<625x32xf32, #tpu.memory_space<hbm>>) target_semaphore(%run_scoped3A_115 : memref<!tpu.dma_semaphore, #tpu.memory_space<semaphore_mem>>)
        %dma_wait3A = arith.constant 0 : i32
        %dma_wait3A_120 = tpu.memref_slice %arg6[%mul3A_114, %dma_wait3A] : memref<10000x32xf32, #tpu.memory_space<hbm>> -> memref<625x32xf32, #tpu.memory_space<hbm>>
        %dma_wait3A_121 = arith.constant 0 : i32
        %dma_wait3A_122 = tpu.memref_slice %arg7[%mul3A_112, %dma_wait3A_121] : memref<10000x32xf32, #tpu.memory_space<vmem_shared>> -> memref<625x32xf32, #tpu.memory_space<vmem_shared>>
        tpu.wait_dma2 semaphore(%run_scoped3A_115 : memref<!tpu.dma_semaphore, #tpu.memory_space<semaphore_mem>>) src(%dma_wait3A_122 : memref<625x32xf32, #tpu.memory_space<vmem_shared>>) dst(%dma_wait3A_120 : memref<625x32xf32, #tpu.memory_space<hbm>>)
        tpu.yield
      }) : () -> ()
    } else {
    }
    return
  }
}

#map = affine_map<(d0, d1) -> (0, 0)>
module attributes {stable_mosaic.version = 14 : i64} {
  func.func @_seg_body(%arg0: i32, %arg1: i32, %arg2: memref<10000x32xf32, #tpu.memory_space<hbm>>, %arg3: memref<2500x128xi32, #tpu.memory_space<hbm>>, %arg4: memref<2500x128xi32, #tpu.memory_space<hbm>>, %arg5: memref<10000x32xf32, #tpu.memory_space<hbm>>, %arg6: memref<10000x32xf32, #tpu.memory_space<hbm>>, %arg7: memref<10000x32xf32, #tpu.memory_space<vmem_shared>>, %arg8: memref<79x128xi32, #tpu.memory_space<vmem>>, %arg9: memref<79x128xi32, #tpu.memory_space<vmem>>, %arg10: memref<4x128x32xf32, #tpu.memory_space<vmem>>, %arg11: memref<4x!tpu.dma_semaphore, #tpu.memory_space<semaphore_mem>>) attributes {dimension_semantics = [#tpu.dimension_semantics<core_parallel>, #tpu.dimension_semantics<subcore_parallel>], iteration_bounds = array<i64: 2, 16>, scalar_prefetch = 0 : i64, scratch_operands = 5 : i64, tpu.core_type = #tpu.core_type<sc_vector_subcore>, window_params = [{transform_indices = #map}, {transform_indices = #map}, {transform_indices = #map}, {transform_indices = #map}, {transform_indices = #map}]} {
    %mul3A = arith.constant 16 : i32
    %mul3A_0 = arith.muli %arg0, %mul3A : i32
    %add3A = arith.addi %mul3A_0, %arg1 : i32
    %lt3A = arith.constant 4 : i32
    %lt3A_1 = arith.cmpi slt, %add3A, %lt3A : i32
    %jit3A = arith.constant 1 : i32
    %jit3A_2 = arith.constant 0 : i32
    %select_n3A = arith.select %lt3A_1, %jit3A, %jit3A_2 : i32
    %add3A_3 = arith.constant 78 : i32
    %add3A_4 = arith.addi %add3A_3, %select_n3A : i32
    %mul3A_5 = arith.constant 78 : i32
    %mul3A_6 = arith.muli %mul3A_5, %add3A : i32
    %min3A = arith.constant 4 : i32
    %min3A_7 = arith.minsi %add3A, %min3A : i32
    %add3A_8 = arith.addi %mul3A_6, %min3A_7 : i32
    %broadcast_in_dim3A = arith.constant 0.000000e+00 : f32
    %broadcast_in_dim3A_9 = vector.broadcast %broadcast_in_dim3A : f32 to vector<16xf32>
    %scan3A = arith.constant 0 : i32
    %scan3A_10 = arith.constant 0 : i32
    %scan3A_11 = arith.constant 128 : i32
    %scan3A_12 = arith.addi %scan3A_10, %scan3A_11 : i32
    %scan3A_13 = arith.constant 1 : i32
    scf.for %scan3A_111 = %scan3A_10 to %scan3A_12 step %scan3A_13  : i32 {
      %swap3A = arith.constant 3 : i32
      %swap3A_112 = arith.index_cast %swap3A : i32 to index
      %swap3A_113 = arith.index_cast %scan3A_111 : i32 to index
      %swap3A_114 = arith.constant 0 : index
      %swap3A_115 = tpu.vector_load %arg10[%swap3A_112, %swap3A_113, %swap3A_114] {strides = array<i32>} : memref<4x128x32xf32, #tpu.memory_space<vmem>>, vector<1x1x16xf32>,
      %swap3A_116 = vector.shape_cast %swap3A_115 : vector<1x1x16xf32> to vector<16xf32>
      %swap3A_117 = vector.shape_cast %broadcast_in_dim3A_9 : vector<16xf32> to vector<1x1x16xf32>
      tpu.vector_store %arg10[%swap3A_112, %swap3A_113, %swap3A_114], %swap3A_117 {strides = array<i32>} : memref<4x128x32xf32, #tpu.memory_space<vmem>>, vector<1x1x16xf32>,
      %swap3A_118 = arith.constant 3 : i32
      %swap3A_119 = arith.index_cast %swap3A_118 : i32 to index
      %swap3A_120 = arith.index_cast %scan3A_111 : i32 to index
      %swap3A_121 = arith.constant 16 : index
      %swap3A_122 = tpu.vector_load %arg10[%swap3A_119, %swap3A_120, %swap3A_121] {strides = array<i32>} : memref<4x128x32xf32, #tpu.memory_space<vmem>>, vector<1x1x16xf32>,
      %swap3A_123 = vector.shape_cast %swap3A_122 : vector<1x1x16xf32> to vector<16xf32>
      %swap3A_124 = vector.shape_cast %broadcast_in_dim3A_9 : vector<16xf32> to vector<1x1x16xf32>
      tpu.vector_store %arg10[%swap3A_119, %swap3A_120, %swap3A_121], %swap3A_124 {strides = array<i32>} : memref<4x128x32xf32, #tpu.memory_space<vmem>>, vector<1x1x16xf32>,
    }
    %scan3A_14 = arith.constant 128 : i32
    %mul3A_15 = arith.constant 625 : i32
    %mul3A_16 = arith.muli %arg1, %mul3A_15 : i32
    %add3A_17 = arith.constant 0 : i32
    %add3A_18 = arith.addi %mul3A_16, %add3A_17 : i32
    %run_scoped3A = arith.constant 3 : i32
    "tpu.region"() ({
      %run_scoped3A_111 = tpu.sem_alloc : memref<!tpu.dma_semaphore, #tpu.memory_space<semaphore_mem>>
      %dma_start3A_112 = arith.constant 0 : i32
      %dma_start3A_113 = arith.constant 0 : i32
      %dma_start3A_114 = tpu.memref_slice %arg10[%run_scoped3A, %dma_start3A_112, %dma_start3A_113] : memref<4x128x32xf32, #tpu.memory_space<vmem>> -> memref<1x128x32xf32, #tpu.memory_space<vmem>>
      %dma_start3A_115 = tpu.memref_squeeze %dma_start3A_114 : memref<1x128x32xf32, #tpu.memory_space<vmem>> -> memref<128x32xf32, #tpu.memory_space<vmem>>
      %dma_start3A_116 = arith.constant 0 : i32
      %dma_start3A_117 = tpu.memref_slice %arg7[%add3A_18, %dma_start3A_116] : memref<10000x32xf32, #tpu.memory_space<vmem_shared>> -> memref<128x32xf32, #tpu.memory_space<vmem_shared>>
      %dma_start3A_118 = arith.constant 0 : i32
      %dma_start3A_119 = tpu.memref_slice %arg7[%add3A_18, %dma_start3A_118] : memref<10000x32xf32, #tpu.memory_space<vmem_shared>> -> memref<128x32xf32, #tpu.memory_space<vmem_shared>>
      %dma_start3A_120 = arith.constant 0 : i32
      %dma_start3A_121 = arith.constant 0 : i32
      %dma_start3A_122 = tpu.memref_slice %arg10[%run_scoped3A, %dma_start3A_120, %dma_start3A_121] : memref<4x128x32xf32, #tpu.memory_space<vmem>> -> memref<1x128x32xf32, #tpu.memory_space<vmem>>
      %dma_start3A_123 = tpu.memref_squeeze %dma_start3A_122 : memref<1x128x32xf32, #tpu.memory_space<vmem>> -> memref<128x32xf32, #tpu.memory_space<vmem>>
      tpu.enqueue_dma source(%dma_start3A_123 : memref<128x32xf32, #tpu.memory_space<vmem>>) target(%dma_start3A_119 : memref<128x32xf32, #tpu.memory_space<vmem_shared>>) target_semaphore(%run_scoped3A_111 : memref<!tpu.dma_semaphore, #tpu.memory_space<semaphore_mem>>)
      %dma_wait3A = arith.constant 0 : i32
      %dma_wait3A_124 = arith.constant 0 : i32
      %dma_wait3A_125 = tpu.memref_slice %arg10[%run_scoped3A, %dma_wait3A, %dma_wait3A_124] : memref<4x128x32xf32, #tpu.memory_space<vmem>> -> memref<1x128x32xf32, #tpu.memory_space<vmem>>
      %dma_wait3A_126 = tpu.memref_squeeze %dma_wait3A_125 : memref<1x128x32xf32, #tpu.memory_space<vmem>> -> memref<128x32xf32, #tpu.memory_space<vmem>>
      %dma_wait3A_127 = arith.constant 0 : i32
      %dma_wait3A_128 = tpu.memref_slice %arg7[%add3A_18, %dma_wait3A_127] : memref<10000x32xf32, #tpu.memory_space<vmem_shared>> -> memref<128x32xf32, #tpu.memory_space<vmem_shared>>
      %dma_wait3A_129 = arith.constant 0 : i32
      %dma_wait3A_130 = tpu.memref_slice %arg7[%add3A_18, %dma_wait3A_129] : memref<10000x32xf32, #tpu.memory_space<vmem_shared>> -> memref<128x32xf32, #tpu.memory_space<vmem_shared>>
      %dma_wait3A_131 = arith.constant 0 : i32
      %dma_wait3A_132 = arith.constant 0 : i32
      %dma_wait3A_133 = tpu.memref_slice %arg10[%run_scoped3A, %dma_wait3A_131, %dma_wait3A_132] : memref<4x128x32xf32, #tpu.memory_space<vmem>> -> memref<1x128x32xf32, #tpu.memory_space<vmem>>
      %dma_wait3A_134 = tpu.memref_squeeze %dma_wait3A_133 : memref<1x128x32xf32, #tpu.memory_space<vmem>> -> memref<128x32xf32, #tpu.memory_space<vmem>>
      tpu.wait_dma2 semaphore(%run_scoped3A_111 : memref<!tpu.dma_semaphore, #tpu.memory_space<semaphore_mem>>) src(%dma_wait3A_134 : memref<128x32xf32, #tpu.memory_space<vmem>>) dst(%dma_wait3A_130 : memref<128x32xf32, #tpu.memory_space<vmem_shared>>)
      tpu.yield
    }) : () -> ()
    %mul3A_19 = arith.constant 625 : i32
    %mul3A_20 = arith.muli %arg1, %mul3A_19 : i32
    %add3A_21 = arith.constant 128 : i32
    %add3A_22 = arith.addi %mul3A_20, %add3A_21 : i32
    %run_scoped3A_23 = arith.constant 3 : i32
    "tpu.region"() ({
      %run_scoped3A_111 = tpu.sem_alloc : memref<!tpu.dma_semaphore, #tpu.memory_space<semaphore_mem>>
      %dma_start3A_112 = arith.constant 0 : i32
      %dma_start3A_113 = arith.constant 0 : i32
      %dma_start3A_114 = tpu.memref_slice %arg10[%run_scoped3A_23, %dma_start3A_112, %dma_start3A_113] : memref<4x128x32xf32, #tpu.memory_space<vmem>> -> memref<1x128x32xf32, #tpu.memory_space<vmem>>
      %dma_start3A_115 = tpu.memref_squeeze %dma_start3A_114 : memref<1x128x32xf32, #tpu.memory_space<vmem>> -> memref<128x32xf32, #tpu.memory_space<vmem>>
      %dma_start3A_116 = arith.constant 0 : i32
      %dma_start3A_117 = tpu.memref_slice %arg7[%add3A_22, %dma_start3A_116] : memref<10000x32xf32, #tpu.memory_space<vmem_shared>> -> memref<128x32xf32, #tpu.memory_space<vmem_shared>>
      %dma_start3A_118 = arith.constant 0 : i32
      %dma_start3A_119 = tpu.memref_slice %arg7[%add3A_22, %dma_start3A_118] : memref<10000x32xf32, #tpu.memory_space<vmem_shared>> -> memref<128x32xf32, #tpu.memory_space<vmem_shared>>
      %dma_start3A_120 = arith.constant 0 : i32
      %dma_start3A_121 = arith.constant 0 : i32
      %dma_start3A_122 = tpu.memref_slice %arg10[%run_scoped3A_23, %dma_start3A_120, %dma_start3A_121] : memref<4x128x32xf32, #tpu.memory_space<vmem>> -> memref<1x128x32xf32, #tpu.memory_space<vmem>>
      %dma_start3A_123 = tpu.memref_squeeze %dma_start3A_122 : memref<1x128x32xf32, #tpu.memory_space<vmem>> -> memref<128x32xf32, #tpu.memory_space<vmem>>
      tpu.enqueue_dma source(%dma_start3A_123 : memref<128x32xf32, #tpu.memory_space<vmem>>) target(%dma_start3A_119 : memref<128x32xf32, #tpu.memory_space<vmem_shared>>) target_semaphore(%run_scoped3A_111 : memref<!tpu.dma_semaphore, #tpu.memory_space<semaphore_mem>>)
      %dma_wait3A = arith.constant 0 : i32
      %dma_wait3A_124 = arith.constant 0 : i32
      %dma_wait3A_125 = tpu.memref_slice %arg10[%run_scoped3A_23, %dma_wait3A, %dma_wait3A_124] : memref<4x128x32xf32, #tpu.memory_space<vmem>> -> memref<1x128x32xf32, #tpu.memory_space<vmem>>
      %dma_wait3A_126 = tpu.memref_squeeze %dma_wait3A_125 : memref<1x128x32xf32, #tpu.memory_space<vmem>> -> memref<128x32xf32, #tpu.memory_space<vmem>>
      %dma_wait3A_127 = arith.constant 0 : i32
      %dma_wait3A_128 = tpu.memref_slice %arg7[%add3A_22, %dma_wait3A_127] : memref<10000x32xf32, #tpu.memory_space<vmem_shared>> -> memref<128x32xf32, #tpu.memory_space<vmem_shared>>
      %dma_wait3A_129 = arith.constant 0 : i32
      %dma_wait3A_130 = tpu.memref_slice %arg7[%add3A_22, %dma_wait3A_129] : memref<10000x32xf32, #tpu.memory_space<vmem_shared>> -> memref<128x32xf32, #tpu.memory_space<vmem_shared>>
      %dma_wait3A_131 = arith.constant 0 : i32
      %dma_wait3A_132 = arith.constant 0 : i32
      %dma_wait3A_133 = tpu.memref_slice %arg10[%run_scoped3A_23, %dma_wait3A_131, %dma_wait3A_132] : memref<4x128x32xf32, #tpu.memory_space<vmem>> -> memref<1x128x32xf32, #tpu.memory_space<vmem>>
      %dma_wait3A_134 = tpu.memref_squeeze %dma_wait3A_133 : memref<1x128x32xf32, #tpu.memory_space<vmem>> -> memref<128x32xf32, #tpu.memory_space<vmem>>
      tpu.wait_dma2 semaphore(%run_scoped3A_111 : memref<!tpu.dma_semaphore, #tpu.memory_space<semaphore_mem>>) src(%dma_wait3A_134 : memref<128x32xf32, #tpu.memory_space<vmem>>) dst(%dma_wait3A_130 : memref<128x32xf32, #tpu.memory_space<vmem_shared>>)
      tpu.yield
    }) : () -> ()
    %mul3A_24 = arith.constant 625 : i32
    %mul3A_25 = arith.muli %arg1, %mul3A_24 : i32
    %add3A_26 = arith.constant 256 : i32
    %add3A_27 = arith.addi %mul3A_25, %add3A_26 : i32
    %run_scoped3A_28 = arith.constant 3 : i32
    "tpu.region"() ({
      %run_scoped3A_111 = tpu.sem_alloc : memref<!tpu.dma_semaphore, #tpu.memory_space<semaphore_mem>>
      %dma_start3A_112 = arith.constant 0 : i32
      %dma_start3A_113 = arith.constant 0 : i32
      %dma_start3A_114 = tpu.memref_slice %arg10[%run_scoped3A_28, %dma_start3A_112, %dma_start3A_113] : memref<4x128x32xf32, #tpu.memory_space<vmem>> -> memref<1x128x32xf32, #tpu.memory_space<vmem>>
      %dma_start3A_115 = tpu.memref_squeeze %dma_start3A_114 : memref<1x128x32xf32, #tpu.memory_space<vmem>> -> memref<128x32xf32, #tpu.memory_space<vmem>>
      %dma_start3A_116 = arith.constant 0 : i32
      %dma_start3A_117 = tpu.memref_slice %arg7[%add3A_27, %dma_start3A_116] : memref<10000x32xf32, #tpu.memory_space<vmem_shared>> -> memref<128x32xf32, #tpu.memory_space<vmem_shared>>
      %dma_start3A_118 = arith.constant 0 : i32
      %dma_start3A_119 = tpu.memref_slice %arg7[%add3A_27, %dma_start3A_118] : memref<10000x32xf32, #tpu.memory_space<vmem_shared>> -> memref<128x32xf32, #tpu.memory_space<vmem_shared>>
      %dma_start3A_120 = arith.constant 0 : i32
      %dma_start3A_121 = arith.constant 0 : i32
      %dma_start3A_122 = tpu.memref_slice %arg10[%run_scoped3A_28, %dma_start3A_120, %dma_start3A_121] : memref<4x128x32xf32, #tpu.memory_space<vmem>> -> memref<1x128x32xf32, #tpu.memory_space<vmem>>
      %dma_start3A_123 = tpu.memref_squeeze %dma_start3A_122 : memref<1x128x32xf32, #tpu.memory_space<vmem>> -> memref<128x32xf32, #tpu.memory_space<vmem>>
      tpu.enqueue_dma source(%dma_start3A_123 : memref<128x32xf32, #tpu.memory_space<vmem>>) target(%dma_start3A_119 : memref<128x32xf32, #tpu.memory_space<vmem_shared>>) target_semaphore(%run_scoped3A_111 : memref<!tpu.dma_semaphore, #tpu.memory_space<semaphore_mem>>)
      %dma_wait3A = arith.constant 0 : i32
      %dma_wait3A_124 = arith.constant 0 : i32
      %dma_wait3A_125 = tpu.memref_slice %arg10[%run_scoped3A_28, %dma_wait3A, %dma_wait3A_124] : memref<4x128x32xf32, #tpu.memory_space<vmem>> -> memref<1x128x32xf32, #tpu.memory_space<vmem>>
      %dma_wait3A_126 = tpu.memref_squeeze %dma_wait3A_125 : memref<1x128x32xf32, #tpu.memory_space<vmem>> -> memref<128x32xf32, #tpu.memory_space<vmem>>
      %dma_wait3A_127 = arith.constant 0 : i32
      %dma_wait3A_128 = tpu.memref_slice %arg7[%add3A_27, %dma_wait3A_127] : memref<10000x32xf32, #tpu.memory_space<vmem_shared>> -> memref<128x32xf32, #tpu.memory_space<vmem_shared>>
      %dma_wait3A_129 = arith.constant 0 : i32
      %dma_wait3A_130 = tpu.memref_slice %arg7[%add3A_27, %dma_wait3A_129] : memref<10000x32xf32, #tpu.memory_space<vmem_shared>> -> memref<128x32xf32, #tpu.memory_space<vmem_shared>>
      %dma_wait3A_131 = arith.constant 0 : i32
      %dma_wait3A_132 = arith.constant 0 : i32
      %dma_wait3A_133 = tpu.memref_slice %arg10[%run_scoped3A_28, %dma_wait3A_131, %dma_wait3A_132] : memref<4x128x32xf32, #tpu.memory_space<vmem>> -> memref<1x128x32xf32, #tpu.memory_space<vmem>>
      %dma_wait3A_134 = tpu.memref_squeeze %dma_wait3A_133 : memref<1x128x32xf32, #tpu.memory_space<vmem>> -> memref<128x32xf32, #tpu.memory_space<vmem>>
      tpu.wait_dma2 semaphore(%run_scoped3A_111 : memref<!tpu.dma_semaphore, #tpu.memory_space<semaphore_mem>>) src(%dma_wait3A_134 : memref<128x32xf32, #tpu.memory_space<vmem>>) dst(%dma_wait3A_130 : memref<128x32xf32, #tpu.memory_space<vmem_shared>>)
      tpu.yield
    }) : () -> ()
    %mul3A_29 = arith.constant 625 : i32
    %mul3A_30 = arith.muli %arg1, %mul3A_29 : i32
    %add3A_31 = arith.constant 384 : i32
    %add3A_32 = arith.addi %mul3A_30, %add3A_31 : i32
    %run_scoped3A_33 = arith.constant 3 : i32
    "tpu.region"() ({
      %run_scoped3A_111 = tpu.sem_alloc : memref<!tpu.dma_semaphore, #tpu.memory_space<semaphore_mem>>
      %dma_start3A_112 = arith.constant 0 : i32
      %dma_start3A_113 = arith.constant 0 : i32
      %dma_start3A_114 = tpu.memref_slice %arg10[%run_scoped3A_33, %dma_start3A_112, %dma_start3A_113] : memref<4x128x32xf32, #tpu.memory_space<vmem>> -> memref<1x128x32xf32, #tpu.memory_space<vmem>>
      %dma_start3A_115 = tpu.memref_squeeze %dma_start3A_114 : memref<1x128x32xf32, #tpu.memory_space<vmem>> -> memref<128x32xf32, #tpu.memory_space<vmem>>
      %dma_start3A_116 = arith.constant 0 : i32
      %dma_start3A_117 = tpu.memref_slice %arg7[%add3A_32, %dma_start3A_116] : memref<10000x32xf32, #tpu.memory_space<vmem_shared>> -> memref<128x32xf32, #tpu.memory_space<vmem_shared>>
      %dma_start3A_118 = arith.constant 0 : i32
      %dma_start3A_119 = tpu.memref_slice %arg7[%add3A_32, %dma_start3A_118] : memref<10000x32xf32, #tpu.memory_space<vmem_shared>> -> memref<128x32xf32, #tpu.memory_space<vmem_shared>>
      %dma_start3A_120 = arith.constant 0 : i32
      %dma_start3A_121 = arith.constant 0 : i32
      %dma_start3A_122 = tpu.memref_slice %arg10[%run_scoped3A_33, %dma_start3A_120, %dma_start3A_121] : memref<4x128x32xf32, #tpu.memory_space<vmem>> -> memref<1x128x32xf32, #tpu.memory_space<vmem>>
      %dma_start3A_123 = tpu.memref_squeeze %dma_start3A_122 : memref<1x128x32xf32, #tpu.memory_space<vmem>> -> memref<128x32xf32, #tpu.memory_space<vmem>>
      tpu.enqueue_dma source(%dma_start3A_123 : memref<128x32xf32, #tpu.memory_space<vmem>>) target(%dma_start3A_119 : memref<128x32xf32, #tpu.memory_space<vmem_shared>>) target_semaphore(%run_scoped3A_111 : memref<!tpu.dma_semaphore, #tpu.memory_space<semaphore_mem>>)
      %dma_wait3A = arith.constant 0 : i32
      %dma_wait3A_124 = arith.constant 0 : i32
      %dma_wait3A_125 = tpu.memref_slice %arg10[%run_scoped3A_33, %dma_wait3A, %dma_wait3A_124] : memref<4x128x32xf32, #tpu.memory_space<vmem>> -> memref<1x128x32xf32, #tpu.memory_space<vmem>>
      %dma_wait3A_126 = tpu.memref_squeeze %dma_wait3A_125 : memref<1x128x32xf32, #tpu.memory_space<vmem>> -> memref<128x32xf32, #tpu.memory_space<vmem>>
      %dma_wait3A_127 = arith.constant 0 : i32
      %dma_wait3A_128 = tpu.memref_slice %arg7[%add3A_32, %dma_wait3A_127] : memref<10000x32xf32, #tpu.memory_space<vmem_shared>> -> memref<128x32xf32, #tpu.memory_space<vmem_shared>>
      %dma_wait3A_129 = arith.constant 0 : i32
      %dma_wait3A_130 = tpu.memref_slice %arg7[%add3A_32, %dma_wait3A_129] : memref<10000x32xf32, #tpu.memory_space<vmem_shared>> -> memref<128x32xf32, #tpu.memory_space<vmem_shared>>
      %dma_wait3A_131 = arith.constant 0 : i32
      %dma_wait3A_132 = arith.constant 0 : i32
      %dma_wait3A_133 = tpu.memref_slice %arg10[%run_scoped3A_33, %dma_wait3A_131, %dma_wait3A_132] : memref<4x128x32xf32, #tpu.memory_space<vmem>> -> memref<1x128x32xf32, #tpu.memory_space<vmem>>
      %dma_wait3A_134 = tpu.memref_squeeze %dma_wait3A_133 : memref<1x128x32xf32, #tpu.memory_space<vmem>> -> memref<128x32xf32, #tpu.memory_space<vmem>>
      tpu.wait_dma2 semaphore(%run_scoped3A_111 : memref<!tpu.dma_semaphore, #tpu.memory_space<semaphore_mem>>) src(%dma_wait3A_134 : memref<128x32xf32, #tpu.memory_space<vmem>>) dst(%dma_wait3A_130 : memref<128x32xf32, #tpu.memory_space<vmem_shared>>)
      tpu.yield
    }) : () -> ()
    %mul3A_34 = arith.constant 625 : i32
    %mul3A_35 = arith.muli %arg1, %mul3A_34 : i32
    %add3A_36 = arith.constant 512 : i32
    %add3A_37 = arith.addi %mul3A_35, %add3A_36 : i32
    %run_scoped3A_38 = arith.constant 3 : i32
    "tpu.region"() ({
      %run_scoped3A_111 = tpu.sem_alloc : memref<!tpu.dma_semaphore, #tpu.memory_space<semaphore_mem>>
      %dma_start3A_112 = arith.constant 0 : i32
      %dma_start3A_113 = arith.constant 0 : i32
      %dma_start3A_114 = tpu.memref_slice %arg10[%run_scoped3A_38, %dma_start3A_112, %dma_start3A_113] : memref<4x128x32xf32, #tpu.memory_space<vmem>> -> memref<1x113x32xf32, #tpu.memory_space<vmem>>
      %dma_start3A_115 = tpu.memref_squeeze %dma_start3A_114 : memref<1x113x32xf32, #tpu.memory_space<vmem>> -> memref<113x32xf32, #tpu.memory_space<vmem>>
      %dma_start3A_116 = arith.constant 0 : i32
      %dma_start3A_117 = tpu.memref_slice %arg7[%add3A_37, %dma_start3A_116] : memref<10000x32xf32, #tpu.memory_space<vmem_shared>> -> memref<113x32xf32, #tpu.memory_space<vmem_shared>>
      %dma_start3A_118 = arith.constant 0 : i32
      %dma_start3A_119 = tpu.memref_slice %arg7[%add3A_37, %dma_start3A_118] : memref<10000x32xf32, #tpu.memory_space<vmem_shared>> -> memref<113x32xf32, #tpu.memory_space<vmem_shared>>
      %dma_start3A_120 = arith.constant 0 : i32
      %dma_start3A_121 = arith.constant 0 : i32
      %dma_start3A_122 = tpu.memref_slice %arg10[%run_scoped3A_38, %dma_start3A_120, %dma_start3A_121] : memref<4x128x32xf32, #tpu.memory_space<vmem>> -> memref<1x113x32xf32, #tpu.memory_space<vmem>>
      %dma_start3A_123 = tpu.memref_squeeze %dma_start3A_122 : memref<1x113x32xf32, #tpu.memory_space<vmem>> -> memref<113x32xf32, #tpu.memory_space<vmem>>
      tpu.enqueue_dma source(%dma_start3A_123 : memref<113x32xf32, #tpu.memory_space<vmem>>) target(%dma_start3A_119 : memref<113x32xf32, #tpu.memory_space<vmem_shared>>) target_semaphore(%run_scoped3A_111 : memref<!tpu.dma_semaphore, #tpu.memory_space<semaphore_mem>>)
      %dma_wait3A = arith.constant 0 : i32
      %dma_wait3A_124 = arith.constant 0 : i32
      %dma_wait3A_125 = tpu.memref_slice %arg10[%run_scoped3A_38, %dma_wait3A, %dma_wait3A_124] : memref<4x128x32xf32, #tpu.memory_space<vmem>> -> memref<1x113x32xf32, #tpu.memory_space<vmem>>
      %dma_wait3A_126 = tpu.memref_squeeze %dma_wait3A_125 : memref<1x113x32xf32, #tpu.memory_space<vmem>> -> memref<113x32xf32, #tpu.memory_space<vmem>>
      %dma_wait3A_127 = arith.constant 0 : i32
      %dma_wait3A_128 = tpu.memref_slice %arg7[%add3A_37, %dma_wait3A_127] : memref<10000x32xf32, #tpu.memory_space<vmem_shared>> -> memref<113x32xf32, #tpu.memory_space<vmem_shared>>
      %dma_wait3A_129 = arith.constant 0 : i32
      %dma_wait3A_130 = tpu.memref_slice %arg7[%add3A_37, %dma_wait3A_129] : memref<10000x32xf32, #tpu.memory_space<vmem_shared>> -> memref<113x32xf32, #tpu.memory_space<vmem_shared>>
      %dma_wait3A_131 = arith.constant 0 : i32
      %dma_wait3A_132 = arith.constant 0 : i32
      %dma_wait3A_133 = tpu.memref_slice %arg10[%run_scoped3A_38, %dma_wait3A_131, %dma_wait3A_132] : memref<4x128x32xf32, #tpu.memory_space<vmem>> -> memref<1x113x32xf32, #tpu.memory_space<vmem>>
      %dma_wait3A_134 = tpu.memref_squeeze %dma_wait3A_133 : memref<1x113x32xf32, #tpu.memory_space<vmem>> -> memref<113x32xf32, #tpu.memory_space<vmem>>
      tpu.wait_dma2 semaphore(%run_scoped3A_111 : memref<!tpu.dma_semaphore, #tpu.memory_space<semaphore_mem>>) src(%dma_wait3A_134 : memref<113x32xf32, #tpu.memory_space<vmem>>) dst(%dma_wait3A_130 : memref<113x32xf32, #tpu.memory_space<vmem_shared>>)
      tpu.yield
    }) : () -> ()
    %lt3A_39 = arith.constant 4 : i32
    %lt3A_40 = arith.cmpi slt, %add3A, %lt3A_39 : i32
    %convert_element_type3A = arith.extui %lt3A_40 : i1 to i32
    %cond3A = arith.constant 0 : i32
    %cond3A_41 = arith.cmpi ne, %convert_element_type3A, %cond3A : i32
    scf.if %cond3A_41 {
      "tpu.region"() ({
        %run_scoped3A_111 = tpu.sem_alloc : memref<!tpu.dma_semaphore, #tpu.memory_space<semaphore_mem>>
        %dma_start3A_112 = arith.constant 0 : i32
        %dma_start3A_113 = tpu.memref_slice %arg3[%add3A_8, %dma_start3A_112] : memref<2500x128xi32, #tpu.memory_space<hbm>> -> memref<79x128xi32, #tpu.memory_space<hbm>>
        %dma_start3A_114 = arith.constant 0 : i32
        %dma_start3A_115 = tpu.memref_slice %arg3[%add3A_8, %dma_start3A_114] : memref<2500x128xi32, #tpu.memory_space<hbm>> -> memref<79x128xi32, #tpu.memory_space<hbm>>
        tpu.enqueue_dma source(%dma_start3A_115 : memref<79x128xi32, #tpu.memory_space<hbm>>) target(%arg8 : memref<79x128xi32, #tpu.memory_space<vmem>>) target_semaphore(%run_scoped3A_111 : memref<!tpu.dma_semaphore, #tpu.memory_space<semaphore_mem>>)
        %dma_wait3A = arith.constant 0 : i32
        %dma_wait3A_116 = tpu.memref_slice %arg3[%add3A_8, %dma_wait3A] : memref<2500x128xi32, #tpu.memory_space<hbm>> -> memref<79x128xi32, #tpu.memory_space<hbm>>
        %dma_wait3A_117 = arith.constant 0 : i32
        %dma_wait3A_118 = tpu.memref_slice %arg3[%add3A_8, %dma_wait3A_117] : memref<2500x128xi32, #tpu.memory_space<hbm>> -> memref<79x128xi32, #tpu.memory_space<hbm>>
        tpu.wait_dma2 semaphore(%run_scoped3A_111 : memref<!tpu.dma_semaphore, #tpu.memory_space<semaphore_mem>>) src(%dma_wait3A_118 : memref<79x128xi32, #tpu.memory_space<hbm>>) dst(%arg8 : memref<79x128xi32, #tpu.memory_space<vmem>>)
        tpu.yield
      }) : () -> ()
      "tpu.region"() ({
        %run_scoped3A_111 = tpu.sem_alloc : memref<!tpu.dma_semaphore, #tpu.memory_space<semaphore_mem>>
        %dma_start3A_112 = arith.constant 0 : i32
        %dma_start3A_113 = tpu.memref_slice %arg4[%add3A_8, %dma_start3A_112] : memref<2500x128xi32, #tpu.memory_space<hbm>> -> memref<79x128xi32, #tpu.memory_space<hbm>>
        %dma_start3A_114 = arith.constant 0 : i32
        %dma_start3A_115 = tpu.memref_slice %arg4[%add3A_8, %dma_start3A_114] : memref<2500x128xi32, #tpu.memory_space<hbm>> -> memref<79x128xi32, #tpu.memory_space<hbm>>
        tpu.enqueue_dma source(%dma_start3A_115 : memref<79x128xi32, #tpu.memory_space<hbm>>) target(%arg9 : memref<79x128xi32, #tpu.memory_space<vmem>>) target_semaphore(%run_scoped3A_111 : memref<!tpu.dma_semaphore, #tpu.memory_space<semaphore_mem>>)
        %dma_wait3A = arith.constant 0 : i32
        %dma_wait3A_116 = tpu.memref_slice %arg4[%add3A_8, %dma_wait3A] : memref<2500x128xi32, #tpu.memory_space<hbm>> -> memref<79x128xi32, #tpu.memory_space<hbm>>
        %dma_wait3A_117 = arith.constant 0 : i32
        %dma_wait3A_118 = tpu.memref_slice %arg4[%add3A_8, %dma_wait3A_117] : memref<2500x128xi32, #tpu.memory_space<hbm>> -> memref<79x128xi32, #tpu.memory_space<hbm>>
        tpu.wait_dma2 semaphore(%run_scoped3A_111 : memref<!tpu.dma_semaphore, #tpu.memory_space<semaphore_mem>>) src(%dma_wait3A_118 : memref<79x128xi32, #tpu.memory_space<hbm>>) dst(%arg9 : memref<79x128xi32, #tpu.memory_space<vmem>>)
        tpu.yield
      }) : () -> ()
    } else {
    }
    %ge3A = arith.constant 4 : i32
    %ge3A_42 = arith.cmpi sge, %add3A, %ge3A : i32
    %convert_element_type3A_43 = arith.extui %ge3A_42 : i1 to i32
    %cond3A_44 = arith.constant 0 : i32
    %cond3A_45 = arith.cmpi ne, %convert_element_type3A_43, %cond3A_44 : i32
    scf.if %cond3A_45 {
      "tpu.region"() ({
        %run_scoped3A_111 = tpu.sem_alloc : memref<!tpu.dma_semaphore, #tpu.memory_space<semaphore_mem>>
        %dma_start3A_112 = arith.constant 0 : i32
        %dma_start3A_113 = arith.constant 0 : i32
        %dma_start3A_114 = tpu.memref_slice %arg8[%dma_start3A_112, %dma_start3A_113] : memref<79x128xi32, #tpu.memory_space<vmem>> -> memref<78x128xi32, #tpu.memory_space<vmem>>
        %dma_start3A_115 = arith.constant 0 : i32
        %dma_start3A_116 = tpu.memref_slice %arg3[%add3A_8, %dma_start3A_115] : memref<2500x128xi32, #tpu.memory_space<hbm>> -> memref<78x128xi32, #tpu.memory_space<hbm>>
        %dma_start3A_117 = arith.constant 0 : i32
        %dma_start3A_118 = arith.constant 0 : i32
        %dma_start3A_119 = tpu.memref_slice %arg8[%dma_start3A_117, %dma_start3A_118] : memref<79x128xi32, #tpu.memory_space<vmem>> -> memref<78x128xi32, #tpu.memory_space<vmem>>
        %dma_start3A_120 = arith.constant 0 : i32
        %dma_start3A_121 = tpu.memref_slice %arg3[%add3A_8, %dma_start3A_120] : memref<2500x128xi32, #tpu.memory_space<hbm>> -> memref<78x128xi32, #tpu.memory_space<hbm>>
        tpu.enqueue_dma source(%dma_start3A_121 : memref<78x128xi32, #tpu.memory_space<hbm>>) target(%dma_start3A_119 : memref<78x128xi32, #tpu.memory_space<vmem>>) target_semaphore(%run_scoped3A_111 : memref<!tpu.dma_semaphore, #tpu.memory_space<semaphore_mem>>)
        %dma_wait3A = arith.constant 0 : i32
        %dma_wait3A_122 = arith.constant 0 : i32
        %dma_wait3A_123 = tpu.memref_slice %arg8[%dma_wait3A, %dma_wait3A_122] : memref<79x128xi32, #tpu.memory_space<vmem>> -> memref<78x128xi32, #tpu.memory_space<vmem>>
        %dma_wait3A_124 = arith.constant 0 : i32
        %dma_wait3A_125 = tpu.memref_slice %arg3[%add3A_8, %dma_wait3A_124] : memref<2500x128xi32, #tpu.memory_space<hbm>> -> memref<78x128xi32, #tpu.memory_space<hbm>>
        %dma_wait3A_126 = arith.constant 0 : i32
        %dma_wait3A_127 = arith.constant 0 : i32
        %dma_wait3A_128 = tpu.memref_slice %arg8[%dma_wait3A_126, %dma_wait3A_127] : memref<79x128xi32, #tpu.memory_space<vmem>> -> memref<78x128xi32, #tpu.memory_space<vmem>>
        %dma_wait3A_129 = arith.constant 0 : i32
        %dma_wait3A_130 = tpu.memref_slice %arg3[%add3A_8, %dma_wait3A_129] : memref<2500x128xi32, #tpu.memory_space<hbm>> -> memref<78x128xi32, #tpu.memory_space<hbm>>
        tpu.wait_dma2 semaphore(%run_scoped3A_111 : memref<!tpu.dma_semaphore, #tpu.memory_space<semaphore_mem>>) src(%dma_wait3A_130 : memref<78x128xi32, #tpu.memory_space<hbm>>) dst(%dma_wait3A_128 : memref<78x128xi32, #tpu.memory_space<vmem>>)
        tpu.yield
      }) : () -> ()
      "tpu.region"() ({
        %run_scoped3A_111 = tpu.sem_alloc : memref<!tpu.dma_semaphore, #tpu.memory_space<semaphore_mem>>
        %dma_start3A_112 = arith.constant 0 : i32
        %dma_start3A_113 = arith.constant 0 : i32
        %dma_start3A_114 = tpu.memref_slice %arg9[%dma_start3A_112, %dma_start3A_113] : memref<79x128xi32, #tpu.memory_space<vmem>> -> memref<78x128xi32, #tpu.memory_space<vmem>>
        %dma_start3A_115 = arith.constant 0 : i32
        %dma_start3A_116 = tpu.memref_slice %arg4[%add3A_8, %dma_start3A_115] : memref<2500x128xi32, #tpu.memory_space<hbm>> -> memref<78x128xi32, #tpu.memory_space<hbm>>
        %dma_start3A_117 = arith.constant 0 : i32
        %dma_start3A_118 = arith.constant 0 : i32
        %dma_start3A_119 = tpu.memref_slice %arg9[%dma_start3A_117, %dma_start3A_118] : memref<79x128xi32, #tpu.memory_space<vmem>> -> memref<78x128xi32, #tpu.memory_space<vmem>>
        %dma_start3A_120 = arith.constant 0 : i32
        %dma_start3A_121 = tpu.memref_slice %arg4[%add3A_8, %dma_start3A_120] : memref<2500x128xi32, #tpu.memory_space<hbm>> -> memref<78x128xi32, #tpu.memory_space<hbm>>
        tpu.enqueue_dma source(%dma_start3A_121 : memref<78x128xi32, #tpu.memory_space<hbm>>) target(%dma_start3A_119 : memref<78x128xi32, #tpu.memory_space<vmem>>) target_semaphore(%run_scoped3A_111 : memref<!tpu.dma_semaphore, #tpu.memory_space<semaphore_mem>>)
        %dma_wait3A = arith.constant 0 : i32
        %dma_wait3A_122 = arith.constant 0 : i32
        %dma_wait3A_123 = tpu.memref_slice %arg9[%dma_wait3A, %dma_wait3A_122] : memref<79x128xi32, #tpu.memory_space<vmem>> -> memref<78x128xi32, #tpu.memory_space<vmem>>
        %dma_wait3A_124 = arith.constant 0 : i32
        %dma_wait3A_125 = tpu.memref_slice %arg4[%add3A_8, %dma_wait3A_124] : memref<2500x128xi32, #tpu.memory_space<hbm>> -> memref<78x128xi32, #tpu.memory_space<hbm>>
        %dma_wait3A_126 = arith.constant 0 : i32
        %dma_wait3A_127 = arith.constant 0 : i32
        %dma_wait3A_128 = tpu.memref_slice %arg9[%dma_wait3A_126, %dma_wait3A_127] : memref<79x128xi32, #tpu.memory_space<vmem>> -> memref<78x128xi32, #tpu.memory_space<vmem>>
        %dma_wait3A_129 = arith.constant 0 : i32
        %dma_wait3A_130 = tpu.memref_slice %arg4[%add3A_8, %dma_wait3A_129] : memref<2500x128xi32, #tpu.memory_space<hbm>> -> memref<78x128xi32, #tpu.memory_space<hbm>>
        tpu.wait_dma2 semaphore(%run_scoped3A_111 : memref<!tpu.dma_semaphore, #tpu.memory_space<semaphore_mem>>) src(%dma_wait3A_130 : memref<78x128xi32, #tpu.memory_space<hbm>>) dst(%dma_wait3A_128 : memref<78x128xi32, #tpu.memory_space<vmem>>)
        tpu.yield
      }) : () -> ()
    } else {
    }
    %barrier3A = arith.constant 0 : index
    tpu.barrier barrier_id(%barrier3A)
    %rem3A = arith.constant 0 : i32
    %rem3A_46 = arith.constant 4 : i32
    %rem3A_47 = arith.remsi %rem3A, %rem3A_46 : i32
    %dma_start3A = arith.constant 0 : i32
    %dma_start3A_48 = arith.constant 0 : i32
    %dma_start3A_49 = arith.constant 0 : i32
    %dma_start3A_50 = tpu.memref_slice %arg10[%rem3A_47, %dma_start3A_48, %dma_start3A_49] : memref<4x128x32xf32, #tpu.memory_space<vmem>> -> memref<1x128x32xf32, #tpu.memory_space<vmem>>
    %dma_start3A_51 = tpu.memref_squeeze %dma_start3A_50 : memref<1x128x32xf32, #tpu.memory_space<vmem>> -> memref<128x32xf32, #tpu.memory_space<vmem>>
    %dma_start3A_52 = arith.constant 0 : i32
    %dma_start3A_53 = tpu.memref_slice %arg8[%dma_start3A, %dma_start3A_52] : memref<79x128xi32, #tpu.memory_space<vmem>> -> memref<1x128xi32, #tpu.memory_space<vmem>>
    %dma_start3A_54 = tpu.memref_squeeze %dma_start3A_53 : memref<1x128xi32, #tpu.memory_space<vmem>> -> memref<128xi32, #tpu.memory_space<vmem>>
    %dma_start3A_55 = arith.constant 0 : i32
    %dma_start3A_56 = arith.constant 0 : i32
    %dma_start3A_57 = tpu.memref_slice %arg2[%dma_start3A_55, %dma_start3A_56] : memref<10000x32xf32, #tpu.memory_space<hbm>> -> memref<10000x32xf32, #tpu.memory_space<hbm>>
    %dma_start3A_58 = tpu.memref_slice %arg11[%rem3A_47] : memref<4x!tpu.dma_semaphore, #tpu.memory_space<semaphore_mem>> -> memref<1x!tpu.dma_semaphore, #tpu.memory_space<semaphore_mem>>
    %dma_start3A_59 = tpu.memref_squeeze %dma_start3A_58 : memref<1x!tpu.dma_semaphore, #tpu.memory_space<semaphore_mem>> -> memref<!tpu.dma_semaphore, #tpu.memory_space<semaphore_mem>>
    tpu.enqueue_indirect_dma source(%dma_start3A_57 : memref<10000x32xf32, #tpu.memory_space<hbm>>) target(%dma_start3A_51 : memref<128x32xf32, #tpu.memory_space<vmem>>) offsets(%dma_start3A_54 : memref<128xi32, #tpu.memory_space<vmem>>) semaphore(%dma_start3A_59 : memref<!tpu.dma_semaphore, #tpu.memory_space<semaphore_mem>>)
    %rem3A_60 = arith.constant 1 : i32
    %rem3A_61 = arith.constant 4 : i32
    %rem3A_62 = arith.remsi %rem3A_60, %rem3A_61 : i32
    %dma_start3A_63 = arith.constant 1 : i32
    %dma_start3A_64 = arith.constant 0 : i32
    %dma_start3A_65 = arith.constant 0 : i32
    %dma_start3A_66 = tpu.memref_slice %arg10[%rem3A_62, %dma_start3A_64, %dma_start3A_65] : memref<4x128x32xf32, #tpu.memory_space<vmem>> -> memref<1x128x32xf32, #tpu.memory_space<vmem>>
    %dma_start3A_67 = tpu.memref_squeeze %dma_start3A_66 : memref<1x128x32xf32, #tpu.memory_space<vmem>> -> memref<128x32xf32, #tpu.memory_space<vmem>>
    %dma_start3A_68 = arith.constant 0 : i32
    %dma_start3A_69 = tpu.memref_slice %arg8[%dma_start3A_63, %dma_start3A_68] : memref<79x128xi32, #tpu.memory_space<vmem>> -> memref<1x128xi32, #tpu.memory_space<vmem>>
    %dma_start3A_70 = tpu.memref_squeeze %dma_start3A_69 : memref<1x128xi32, #tpu.memory_space<vmem>> -> memref<128xi32, #tpu.memory_space<vmem>>
    %dma_start3A_71 = arith.constant 0 : i32
    %dma_start3A_72 = arith.constant 0 : i32
    %dma_start3A_73 = tpu.memref_slice %arg2[%dma_start3A_71, %dma_start3A_72] : memref<10000x32xf32, #tpu.memory_space<hbm>> -> memref<10000x32xf32, #tpu.memory_space<hbm>>
    %dma_start3A_74 = tpu.memref_slice %arg11[%rem3A_62] : memref<4x!tpu.dma_semaphore, #tpu.memory_space<semaphore_mem>> -> memref<1x!tpu.dma_semaphore, #tpu.memory_space<semaphore_mem>>
    %dma_start3A_75 = tpu.memref_squeeze %dma_start3A_74 : memref<1x!tpu.dma_semaphore, #tpu.memory_space<semaphore_mem>> -> memref<!tpu.dma_semaphore, #tpu.memory_space<semaphore_mem>>
    tpu.enqueue_indirect_dma source(%dma_start3A_73 : memref<10000x32xf32, #tpu.memory_space<hbm>>) target(%dma_start3A_67 : memref<128x32xf32, #tpu.memory_space<vmem>>) offsets(%dma_start3A_70 : memref<128xi32, #tpu.memory_space<vmem>>) semaphore(%dma_start3A_75 : memref<!tpu.dma_semaphore, #tpu.memory_space<semaphore_mem>>)
    %rem3A_76 = arith.constant 2 : i32
    %rem3A_77 = arith.constant 4 : i32
    %rem3A_78 = arith.remsi %rem3A_76, %rem3A_77 : i32
    %dma_start3A_79 = arith.constant 2 : i32
    %dma_start3A_80 = arith.constant 0 : i32
    %dma_start3A_81 = arith.constant 0 : i32
    %dma_start3A_82 = tpu.memref_slice %arg10[%rem3A_78, %dma_start3A_80, %dma_start3A_81] : memref<4x128x32xf32, #tpu.memory_space<vmem>> -> memref<1x128x32xf32, #tpu.memory_space<vmem>>
    %dma_start3A_83 = tpu.memref_squeeze %dma_start3A_82 : memref<1x128x32xf32, #tpu.memory_space<vmem>> -> memref<128x32xf32, #tpu.memory_space<vmem>>
    %dma_start3A_84 = arith.constant 0 : i32
    %dma_start3A_85 = tpu.memref_slice %arg8[%dma_start3A_79, %dma_start3A_84] : memref<79x128xi32, #tpu.memory_space<vmem>> -> memref<1x128xi32, #tpu.memory_space<vmem>>
    %dma_start3A_86 = tpu.memref_squeeze %dma_start3A_85 : memref<1x128xi32, #tpu.memory_space<vmem>> -> memref<128xi32, #tpu.memory_space<vmem>>
    %dma_start3A_87 = arith.constant 0 : i32
    %dma_start3A_88 = arith.constant 0 : i32
    %dma_start3A_89 = tpu.memref_slice %arg2[%dma_start3A_87, %dma_start3A_88] : memref<10000x32xf32, #tpu.memory_space<hbm>> -> memref<10000x32xf32, #tpu.memory_space<hbm>>
    %dma_start3A_90 = tpu.memref_slice %arg11[%rem3A_78] : memref<4x!tpu.dma_semaphore, #tpu.memory_space<semaphore_mem>> -> memref<1x!tpu.dma_semaphore, #tpu.memory_space<semaphore_mem>>
    %dma_start3A_91 = tpu.memref_squeeze %dma_start3A_90 : memref<1x!tpu.dma_semaphore, #tpu.memory_space<semaphore_mem>> -> memref<!tpu.dma_semaphore, #tpu.memory_space<semaphore_mem>>
    tpu.enqueue_indirect_dma source(%dma_start3A_89 : memref<10000x32xf32, #tpu.memory_space<hbm>>) target(%dma_start3A_83 : memref<128x32xf32, #tpu.memory_space<vmem>>) offsets(%dma_start3A_86 : memref<128xi32, #tpu.memory_space<vmem>>) semaphore(%dma_start3A_91 : memref<!tpu.dma_semaphore, #tpu.memory_space<semaphore_mem>>)
    %while3A = arith.constant 0 : i32
    %while3A_92 = arith.constant 0 : i32
    %while3A_93 = arith.subi %add3A_4, %while3A_92 : i32
    %while3A_94 = arith.addi %while3A_92, %while3A_93 : i32
    %while3A_95 = arith.constant 1 : i32
    %while3A_96 = arith.divsi %while3A_93, %while3A_95 : i32
    %while3A_97 = arith.muli %while3A_96, %while3A_95 : i32
    %while3A_98 = arith.addi %while3A_92, %while3A_97 : i32
    %while3A_99 = arith.constant 1 : i32
    scf.for %while3A_111 = %while3A_92 to %while3A_98 step %while3A_99  : i32 {
      %add3A_112 = arith.constant 3 : i32
      %add3A_113 = arith.addi %while3A_111, %add3A_112 : i32
      %lt3A_114 = arith.cmpi slt, %add3A_113, %add3A_4 : i32
      %convert_element_type3A_115 = arith.extui %lt3A_114 : i1 to i32
      %cond3A_116 = arith.constant 0 : i32
      %cond3A_117 = arith.cmpi ne, %convert_element_type3A_115, %cond3A_116 : i32
      scf.if %cond3A_117 {
        %add3A_131 = arith.constant 3 : i32
        %add3A_132 = arith.addi %while3A_111, %add3A_131 : i32
        %rem3A_133 = arith.constant 4 : i32
        %rem3A_134 = arith.remsi %add3A_132, %rem3A_133 : i32
        %dma_start3A_135 = arith.constant 0 : i32
        %dma_start3A_136 = arith.constant 0 : i32
        %dma_start3A_137 = tpu.memref_slice %arg10[%rem3A_134, %dma_start3A_135, %dma_start3A_136] : memref<4x128x32xf32, #tpu.memory_space<vmem>> -> memref<1x128x32xf32, #tpu.memory_space<vmem>>
        %dma_start3A_138 = tpu.memref_squeeze %dma_start3A_137 : memref<1x128x32xf32, #tpu.memory_space<vmem>> -> memref<128x32xf32, #tpu.memory_space<vmem>>
        %dma_start3A_139 = arith.constant 0 : i32
        %dma_start3A_140 = tpu.memref_slice %arg8[%add3A_132, %dma_start3A_139] : memref<79x128xi32, #tpu.memory_space<vmem>> -> memref<1x128xi32, #tpu.memory_space<vmem>>
        %dma_start3A_141 = tpu.memref_squeeze %dma_start3A_140 : memref<1x128xi32, #tpu.memory_space<vmem>> -> memref<128xi32, #tpu.memory_space<vmem>>
        %dma_start3A_142 = arith.constant 0 : i32
        %dma_start3A_143 = arith.constant 0 : i32
        %dma_start3A_144 = tpu.memref_slice %arg2[%dma_start3A_142, %dma_start3A_143] : memref<10000x32xf32, #tpu.memory_space<hbm>> -> memref<10000x32xf32, #tpu.memory_space<hbm>>
        %dma_start3A_145 = tpu.memref_slice %arg11[%rem3A_134] : memref<4x!tpu.dma_semaphore, #tpu.memory_space<semaphore_mem>> -> memref<1x!tpu.dma_semaphore, #tpu.memory_space<semaphore_mem>>
        %dma_start3A_146 = tpu.memref_squeeze %dma_start3A_145 : memref<1x!tpu.dma_semaphore, #tpu.memory_space<semaphore_mem>> -> memref<!tpu.dma_semaphore, #tpu.memory_space<semaphore_mem>>
        tpu.enqueue_indirect_dma source(%dma_start3A_144 : memref<10000x32xf32, #tpu.memory_space<hbm>>) target(%dma_start3A_138 : memref<128x32xf32, #tpu.memory_space<vmem>>) offsets(%dma_start3A_141 : memref<128xi32, #tpu.memory_space<vmem>>) semaphore(%dma_start3A_146 : memref<!tpu.dma_semaphore, #tpu.memory_space<semaphore_mem>>)
      } else {
      }
      %rem3A_118 = arith.constant 4 : i32
      %rem3A_119 = arith.remsi %while3A_111, %rem3A_118 : i32
      %dma_wait3A = arith.constant 0 : i32
      %dma_wait3A_120 = arith.constant 0 : i32
      %dma_wait3A_121 = tpu.memref_slice %arg10[%rem3A_119, %dma_wait3A, %dma_wait3A_120] : memref<4x128x32xf32, #tpu.memory_space<vmem>> -> memref<1x128x32xf32, #tpu.memory_space<vmem>>
      %dma_wait3A_122 = tpu.memref_squeeze %dma_wait3A_121 : memref<1x128x32xf32, #tpu.memory_space<vmem>> -> memref<128x32xf32, #tpu.memory_space<vmem>>
      %dma_wait3A_123 = arith.constant 0 : i32
      %dma_wait3A_124 = tpu.memref_slice %arg8[%while3A_111, %dma_wait3A_123] : memref<79x128xi32, #tpu.memory_space<vmem>> -> memref<1x128xi32, #tpu.memory_space<vmem>>
      %dma_wait3A_125 = tpu.memref_squeeze %dma_wait3A_124 : memref<1x128xi32, #tpu.memory_space<vmem>> -> memref<128xi32, #tpu.memory_space<vmem>>
      %dma_wait3A_126 = arith.constant 0 : i32
      %dma_wait3A_127 = arith.constant 0 : i32
      %dma_wait3A_128 = tpu.memref_slice %arg2[%dma_wait3A_126, %dma_wait3A_127] : memref<10000x32xf32, #tpu.memory_space<hbm>> -> memref<10000x32xf32, #tpu.memory_space<hbm>>
      %dma_wait3A_129 = tpu.memref_slice %arg11[%rem3A_119] : memref<4x!tpu.dma_semaphore, #tpu.memory_space<semaphore_mem>> -> memref<1x!tpu.dma_semaphore, #tpu.memory_space<semaphore_mem>>
      %dma_wait3A_130 = tpu.memref_squeeze %dma_wait3A_129 : memref<1x!tpu.dma_semaphore, #tpu.memory_space<semaphore_mem>> -> memref<!tpu.dma_semaphore, #tpu.memory_space<semaphore_mem>>
      tpu.wait_indirect_dma semaphore(%dma_wait3A_130 : memref<!tpu.dma_semaphore, #tpu.memory_space<semaphore_mem>>) src(%dma_wait3A_128 : memref<10000x32xf32, #tpu.memory_space<hbm>>) dst(%dma_wait3A_122 : memref<128x32xf32, #tpu.memory_space<vmem>>)
      "tpu.region"() ({
        %run_scoped3A_131 = tpu.sem_alloc : memref<!tpu.dma_semaphore, #tpu.memory_space<semaphore_mem>>
        %dma_start3A_132 = arith.constant 0 : i32
        %dma_start3A_133 = arith.constant 0 : i32
        %dma_start3A_134 = tpu.memref_slice %arg10[%rem3A_119, %dma_start3A_132, %dma_start3A_133] : memref<4x128x32xf32, #tpu.memory_space<vmem>> -> memref<1x128x32xf32, #tpu.memory_space<vmem>>
        %dma_start3A_135 = tpu.memref_squeeze %dma_start3A_134 : memref<1x128x32xf32, #tpu.memory_space<vmem>> -> memref<128x32xf32, #tpu.memory_space<vmem>>
        %dma_start3A_136 = arith.constant 0 : i32
        %dma_start3A_137 = tpu.memref_slice %arg9[%while3A_111, %dma_start3A_136] : memref<79x128xi32, #tpu.memory_space<vmem>> -> memref<1x128xi32, #tpu.memory_space<vmem>>
        %dma_start3A_138 = tpu.memref_squeeze %dma_start3A_137 : memref<1x128xi32, #tpu.memory_space<vmem>> -> memref<128xi32, #tpu.memory_space<vmem>>
        %dma_start3A_139 = arith.constant 0 : i32
        %dma_start3A_140 = arith.constant 0 : i32
        %dma_start3A_141 = tpu.memref_slice %arg7[%dma_start3A_139, %dma_start3A_140] : memref<10000x32xf32, #tpu.memory_space<vmem_shared>> -> memref<10000x32xf32, #tpu.memory_space<vmem_shared>>
        tpu.enqueue_indirect_dma source(%dma_start3A_135 : memref<128x32xf32, #tpu.memory_space<vmem>>) target(%dma_start3A_141 : memref<10000x32xf32, #tpu.memory_space<vmem_shared>>) offsets(%dma_start3A_138 : memref<128xi32, #tpu.memory_space<vmem>>) semaphore(%run_scoped3A_131 : memref<!tpu.dma_semaphore, #tpu.memory_space<semaphore_mem>>) {add = true}
        %dma_wait3A_142 = arith.constant 0 : i32
        %dma_wait3A_143 = arith.constant 0 : i32
        %dma_wait3A_144 = tpu.memref_slice %arg10[%rem3A_119, %dma_wait3A_142, %dma_wait3A_143] : memref<4x128x32xf32, #tpu.memory_space<vmem>> -> memref<1x128x32xf32, #tpu.memory_space<vmem>>
        %dma_wait3A_145 = tpu.memref_squeeze %dma_wait3A_144 : memref<1x128x32xf32, #tpu.memory_space<vmem>> -> memref<128x32xf32, #tpu.memory_space<vmem>>
        %dma_wait3A_146 = arith.constant 0 : i32
        %dma_wait3A_147 = tpu.memref_slice %arg9[%while3A_111, %dma_wait3A_146] : memref<79x128xi32, #tpu.memory_space<vmem>> -> memref<1x128xi32, #tpu.memory_space<vmem>>
        %dma_wait3A_148 = tpu.memref_squeeze %dma_wait3A_147 : memref<1x128xi32, #tpu.memory_space<vmem>> -> memref<128xi32, #tpu.memory_space<vmem>>
        %dma_wait3A_149 = arith.constant 0 : i32
        %dma_wait3A_150 = arith.constant 0 : i32
        %dma_wait3A_151 = tpu.memref_slice %arg7[%dma_wait3A_149, %dma_wait3A_150] : memref<10000x32xf32, #tpu.memory_space<vmem_shared>> -> memref<10000x32xf32, #tpu.memory_space<vmem_shared>>
        tpu.wait_indirect_dma semaphore(%run_scoped3A_131 : memref<!tpu.dma_semaphore, #tpu.memory_space<semaphore_mem>>) src(%dma_wait3A_145 : memref<128x32xf32, #tpu.memory_space<vmem>>) dst(%dma_wait3A_151 : memref<10000x32xf32, #tpu.memory_space<vmem_shared>>)
        tpu.yield
      }) : () -> ()
    }
    %while3A_100 = arith.constant 1 : i32
    scf.for %while3A_111 = %while3A_98 to %while3A_94 step %while3A_100  : i32 {
      %add3A_112 = arith.constant 3 : i32
      %add3A_113 = arith.addi %while3A_111, %add3A_112 : i32
      %lt3A_114 = arith.cmpi slt, %add3A_113, %add3A_4 : i32
      %convert_element_type3A_115 = arith.extui %lt3A_114 : i1 to i32
      %cond3A_116 = arith.constant 0 : i32
      %cond3A_117 = arith.cmpi ne, %convert_element_type3A_115, %cond3A_116 : i32
      scf.if %cond3A_117 {
        %add3A_131 = arith.constant 3 : i32
        %add3A_132 = arith.addi %while3A_111, %add3A_131 : i32
        %rem3A_133 = arith.constant 4 : i32
        %rem3A_134 = arith.remsi %add3A_132, %rem3A_133 : i32
        %dma_start3A_135 = arith.constant 0 : i32
        %dma_start3A_136 = arith.constant 0 : i32
        %dma_start3A_137 = tpu.memref_slice %arg10[%rem3A_134, %dma_start3A_135, %dma_start3A_136] : memref<4x128x32xf32, #tpu.memory_space<vmem>> -> memref<1x128x32xf32, #tpu.memory_space<vmem>>
        %dma_start3A_138 = tpu.memref_squeeze %dma_start3A_137 : memref<1x128x32xf32, #tpu.memory_space<vmem>> -> memref<128x32xf32, #tpu.memory_space<vmem>>
        %dma_start3A_139 = arith.constant 0 : i32
        %dma_start3A_140 = tpu.memref_slice %arg8[%add3A_132, %dma_start3A_139] : memref<79x128xi32, #tpu.memory_space<vmem>> -> memref<1x128xi32, #tpu.memory_space<vmem>>
        %dma_start3A_141 = tpu.memref_squeeze %dma_start3A_140 : memref<1x128xi32, #tpu.memory_space<vmem>> -> memref<128xi32, #tpu.memory_space<vmem>>
        %dma_start3A_142 = arith.constant 0 : i32
        %dma_start3A_143 = arith.constant 0 : i32
        %dma_start3A_144 = tpu.memref_slice %arg2[%dma_start3A_142, %dma_start3A_143] : memref<10000x32xf32, #tpu.memory_space<hbm>> -> memref<10000x32xf32, #tpu.memory_space<hbm>>
        %dma_start3A_145 = tpu.memref_slice %arg11[%rem3A_134] : memref<4x!tpu.dma_semaphore, #tpu.memory_space<semaphore_mem>> -> memref<1x!tpu.dma_semaphore, #tpu.memory_space<semaphore_mem>>
        %dma_start3A_146 = tpu.memref_squeeze %dma_start3A_145 : memref<1x!tpu.dma_semaphore, #tpu.memory_space<semaphore_mem>> -> memref<!tpu.dma_semaphore, #tpu.memory_space<semaphore_mem>>
        tpu.enqueue_indirect_dma source(%dma_start3A_144 : memref<10000x32xf32, #tpu.memory_space<hbm>>) target(%dma_start3A_138 : memref<128x32xf32, #tpu.memory_space<vmem>>) offsets(%dma_start3A_141 : memref<128xi32, #tpu.memory_space<vmem>>) semaphore(%dma_start3A_146 : memref<!tpu.dma_semaphore, #tpu.memory_space<semaphore_mem>>)
      } else {
      }
      %rem3A_118 = arith.constant 4 : i32
      %rem3A_119 = arith.remsi %while3A_111, %rem3A_118 : i32
      %dma_wait3A = arith.constant 0 : i32
      %dma_wait3A_120 = arith.constant 0 : i32
      %dma_wait3A_121 = tpu.memref_slice %arg10[%rem3A_119, %dma_wait3A, %dma_wait3A_120] : memref<4x128x32xf32, #tpu.memory_space<vmem>> -> memref<1x128x32xf32, #tpu.memory_space<vmem>>
      %dma_wait3A_122 = tpu.memref_squeeze %dma_wait3A_121 : memref<1x128x32xf32, #tpu.memory_space<vmem>> -> memref<128x32xf32, #tpu.memory_space<vmem>>
      %dma_wait3A_123 = arith.constant 0 : i32
      %dma_wait3A_124 = tpu.memref_slice %arg8[%while3A_111, %dma_wait3A_123] : memref<79x128xi32, #tpu.memory_space<vmem>> -> memref<1x128xi32, #tpu.memory_space<vmem>>
      %dma_wait3A_125 = tpu.memref_squeeze %dma_wait3A_124 : memref<1x128xi32, #tpu.memory_space<vmem>> -> memref<128xi32, #tpu.memory_space<vmem>>
      %dma_wait3A_126 = arith.constant 0 : i32
      %dma_wait3A_127 = arith.constant 0 : i32
      %dma_wait3A_128 = tpu.memref_slice %arg2[%dma_wait3A_126, %dma_wait3A_127] : memref<10000x32xf32, #tpu.memory_space<hbm>> -> memref<10000x32xf32, #tpu.memory_space<hbm>>
      %dma_wait3A_129 = tpu.memref_slice %arg11[%rem3A_119] : memref<4x!tpu.dma_semaphore, #tpu.memory_space<semaphore_mem>> -> memref<1x!tpu.dma_semaphore, #tpu.memory_space<semaphore_mem>>
      %dma_wait3A_130 = tpu.memref_squeeze %dma_wait3A_129 : memref<1x!tpu.dma_semaphore, #tpu.memory_space<semaphore_mem>> -> memref<!tpu.dma_semaphore, #tpu.memory_space<semaphore_mem>>
      tpu.wait_indirect_dma semaphore(%dma_wait3A_130 : memref<!tpu.dma_semaphore, #tpu.memory_space<semaphore_mem>>) src(%dma_wait3A_128 : memref<10000x32xf32, #tpu.memory_space<hbm>>) dst(%dma_wait3A_122 : memref<128x32xf32, #tpu.memory_space<vmem>>)
      "tpu.region"() ({
        %run_scoped3A_131 = tpu.sem_alloc : memref<!tpu.dma_semaphore, #tpu.memory_space<semaphore_mem>>
        %dma_start3A_132 = arith.constant 0 : i32
        %dma_start3A_133 = arith.constant 0 : i32
        %dma_start3A_134 = tpu.memref_slice %arg10[%rem3A_119, %dma_start3A_132, %dma_start3A_133] : memref<4x128x32xf32, #tpu.memory_space<vmem>> -> memref<1x128x32xf32, #tpu.memory_space<vmem>>
        %dma_start3A_135 = tpu.memref_squeeze %dma_start3A_134 : memref<1x128x32xf32, #tpu.memory_space<vmem>> -> memref<128x32xf32, #tpu.memory_space<vmem>>
        %dma_start3A_136 = arith.constant 0 : i32
        %dma_start3A_137 = tpu.memref_slice %arg9[%while3A_111, %dma_start3A_136] : memref<79x128xi32, #tpu.memory_space<vmem>> -> memref<1x128xi32, #tpu.memory_space<vmem>>
        %dma_start3A_138 = tpu.memref_squeeze %dma_start3A_137 : memref<1x128xi32, #tpu.memory_space<vmem>> -> memref<128xi32, #tpu.memory_space<vmem>>
        %dma_start3A_139 = arith.constant 0 : i32
        %dma_start3A_140 = arith.constant 0 : i32
        %dma_start3A_141 = tpu.memref_slice %arg7[%dma_start3A_139, %dma_start3A_140] : memref<10000x32xf32, #tpu.memory_space<vmem_shared>> -> memref<10000x32xf32, #tpu.memory_space<vmem_shared>>
        tpu.enqueue_indirect_dma source(%dma_start3A_135 : memref<128x32xf32, #tpu.memory_space<vmem>>) target(%dma_start3A_141 : memref<10000x32xf32, #tpu.memory_space<vmem_shared>>) offsets(%dma_start3A_138 : memref<128xi32, #tpu.memory_space<vmem>>) semaphore(%run_scoped3A_131 : memref<!tpu.dma_semaphore, #tpu.memory_space<semaphore_mem>>) {add = true}
        %dma_wait3A_142 = arith.constant 0 : i32
        %dma_wait3A_143 = arith.constant 0 : i32
        %dma_wait3A_144 = tpu.memref_slice %arg10[%rem3A_119, %dma_wait3A_142, %dma_wait3A_143] : memref<4x128x32xf32, #tpu.memory_space<vmem>> -> memref<1x128x32xf32, #tpu.memory_space<vmem>>
        %dma_wait3A_145 = tpu.memref_squeeze %dma_wait3A_144 : memref<1x128x32xf32, #tpu.memory_space<vmem>> -> memref<128x32xf32, #tpu.memory_space<vmem>>
        %dma_wait3A_146 = arith.constant 0 : i32
        %dma_wait3A_147 = tpu.memref_slice %arg9[%while3A_111, %dma_wait3A_146] : memref<79x128xi32, #tpu.memory_space<vmem>> -> memref<1x128xi32, #tpu.memory_space<vmem>>
        %dma_wait3A_148 = tpu.memref_squeeze %dma_wait3A_147 : memref<1x128xi32, #tpu.memory_space<vmem>> -> memref<128xi32, #tpu.memory_space<vmem>>
        %dma_wait3A_149 = arith.constant 0 : i32
        %dma_wait3A_150 = arith.constant 0 : i32
        %dma_wait3A_151 = tpu.memref_slice %arg7[%dma_wait3A_149, %dma_wait3A_150] : memref<10000x32xf32, #tpu.memory_space<vmem_shared>> -> memref<10000x32xf32, #tpu.memory_space<vmem_shared>>
        tpu.wait_indirect_dma semaphore(%run_scoped3A_131 : memref<!tpu.dma_semaphore, #tpu.memory_space<semaphore_mem>>) src(%dma_wait3A_145 : memref<128x32xf32, #tpu.memory_space<vmem>>) dst(%dma_wait3A_151 : memref<10000x32xf32, #tpu.memory_space<vmem_shared>>)
        tpu.yield
      }) : () -> ()
    }
    %barrier3A_101 = arith.constant 0 : index
    tpu.barrier barrier_id(%barrier3A_101)
    %eq3A = arith.constant 0 : i32
    %eq3A_102 = arith.cmpi eq, %arg0, %eq3A : i32
    %convert_element_type3A_103 = arith.extui %eq3A_102 : i1 to i32
    %cond3A_104 = arith.constant 0 : i32
    %cond3A_105 = arith.cmpi ne, %convert_element_type3A_103, %cond3A_104 : i32
    scf.if %cond3A_105 {
      %mul3A_111 = arith.constant 625 : i32
      %mul3A_112 = arith.muli %arg1, %mul3A_111 : i32
      %mul3A_113 = arith.constant 625 : i32
      %mul3A_114 = arith.muli %arg1, %mul3A_113 : i32
      "tpu.region"() ({
        %run_scoped3A_115 = tpu.sem_alloc : memref<!tpu.dma_semaphore, #tpu.memory_space<semaphore_mem>>
        %dma_start3A_116 = arith.constant 0 : i32
        %dma_start3A_117 = tpu.memref_slice %arg5[%mul3A_114, %dma_start3A_116] : memref<10000x32xf32, #tpu.memory_space<hbm>> -> memref<625x32xf32, #tpu.memory_space<hbm>>
        %dma_start3A_118 = arith.constant 0 : i32
        %dma_start3A_119 = tpu.memref_slice %arg7[%mul3A_112, %dma_start3A_118] : memref<10000x32xf32, #tpu.memory_space<vmem_shared>> -> memref<625x32xf32, #tpu.memory_space<vmem_shared>>
        tpu.enqueue_dma source(%dma_start3A_119 : memref<625x32xf32, #tpu.memory_space<vmem_shared>>) target(%dma_start3A_117 : memref<625x32xf32, #tpu.memory_space<hbm>>) target_semaphore(%run_scoped3A_115 : memref<!tpu.dma_semaphore, #tpu.memory_space<semaphore_mem>>)
        %dma_wait3A = arith.constant 0 : i32
        %dma_wait3A_120 = tpu.memref_slice %arg5[%mul3A_114, %dma_wait3A] : memref<10000x32xf32, #tpu.memory_space<hbm>> -> memref<625x32xf32, #tpu.memory_space<hbm>>
        %dma_wait3A_121 = arith.constant 0 : i32
        %dma_wait3A_122 = tpu.memref_slice %arg7[%mul3A_112, %dma_wait3A_121] : memref<10000x32xf32, #tpu.memory_space<vmem_shared>> -> memref<625x32xf32, #tpu.memory_space<vmem_shared>>
        tpu.wait_dma2 semaphore(%run_scoped3A_115 : memref<!tpu.dma_semaphore, #tpu.memory_space<semaphore_mem>>) src(%dma_wait3A_122 : memref<625x32xf32, #tpu.memory_space<vmem_shared>>) dst(%dma_wait3A_120 : memref<625x32xf32, #tpu.memory_space<hbm>>)
        tpu.yield
      }) : () -> ()
    } else {
    }
    %eq3A_106 = arith.constant 1 : i32
    %eq3A_107 = arith.cmpi eq, %arg0, %eq3A_106 : i32
    %convert_element_type3A_108 = arith.extui %eq3A_107 : i1 to i32
    %cond3A_109 = arith.constant 0 : i32
    %cond3A_110 = arith.cmpi ne, %convert_element_type3A_108, %cond3A_109 : i32
    scf.if %cond3A_110 {
      %mul3A_111 = arith.constant 625 : i32
      %mul3A_112 = arith.muli %arg1, %mul3A_111 : i32
      %mul3A_113 = arith.constant 625 : i32
      %mul3A_114 = arith.muli %arg1, %mul3A_113 : i32
      "tpu.region"() ({
        %run_scoped3A_115 = tpu.sem_alloc : memref<!tpu.dma_semaphore, #tpu.memory_space<semaphore_mem>>
        %dma_start3A_116 = arith.constant 0 : i32
        %dma_start3A_117 = tpu.memref_slice %arg6[%mul3A_114, %dma_start3A_116] : memref<10000x32xf32, #tpu.memory_space<hbm>> -> memref<625x32xf32, #tpu.memory_space<hbm>>
        %dma_start3A_118 = arith.constant 0 : i32
        %dma_start3A_119 = tpu.memref_slice %arg7[%mul3A_112, %dma_start3A_118] : memref<10000x32xf32, #tpu.memory_space<vmem_shared>> -> memref<625x32xf32, #tpu.memory_space<vmem_shared>>
        tpu.enqueue_dma source(%dma_start3A_119 : memref<625x32xf32, #tpu.memory_space<vmem_shared>>) target(%dma_start3A_117 : memref<625x32xf32, #tpu.memory_space<hbm>>) target_semaphore(%run_scoped3A_115 : memref<!tpu.dma_semaphore, #tpu.memory_space<semaphore_mem>>)
        %dma_wait3A = arith.constant 0 : i32
        %dma_wait3A_120 = tpu.memref_slice %arg6[%mul3A_114, %dma_wait3A] : memref<10000x32xf32, #tpu.memory_space<hbm>> -> memref<625x32xf32, #tpu.memory_space<hbm>>
        %dma_wait3A_121 = arith.constant 0 : i32
        %dma_wait3A_122 = tpu.memref_slice %arg7[%mul3A_112, %dma_wait3A_121] : memref<10000x32xf32, #tpu.memory_space<vmem_shared>> -> memref<625x32xf32, #tpu.memory_space<vmem_shared>>
        tpu.wait_dma2 semaphore(%run_scoped3A_115 : memref<!tpu.dma_semaphore, #tpu.memory_space<semaphore_mem>>) src(%dma_wait3A_122 : memref<625x32xf32, #tpu.memory_space<vmem_shared>>) dst(%dma_wait3A_120 : memref<625x32xf32, #tpu.memory_space<hbm>>)
        tpu.yield
      }) : () -> ()
    } else {
    }
    return
  }
}

module attributes {stable_mosaic.version = 14 : i64} {
  func.func @_tc1_body(%arg0: i32, %arg1: memref<256x4x128xf32, #tpu.memory_space<vmem>>, %arg2: memref<128x32xf32, #tpu.memory_space<vmem>>, %arg3: memref<128x32xf32, #tpu.memory_space<vmem>>, %arg4: memref<256x128xf32, #tpu.memory_space<vmem>>, %arg5: memref<256x128xf32, #tpu.memory_space<vmem>>) attributes {dimension_semantics = [#tpu.dimension_semantics<arbitrary>], iteration_bounds = array<i64: 10>, scalar_prefetch = 0 : i64, scratch_operands = 0 : i64, tpu.core_type = #tpu.core_type<tc>, window_params = [{transform_indices = @transform_0, window_bounds = array<i64: 256, 4, 128>}, {pipeline_mode = #tpu.pipeline_mode<synchronous>, transform_indices = @transform_1, window_bounds = array<i64: 128, 32>}, {pipeline_mode = #tpu.pipeline_mode<synchronous>, transform_indices = @transform_2, window_bounds = array<i64: 128, 32>}, {transform_indices = @transform_3, window_bounds = array<i64: 256, 128>}, {transform_indices = @transform_4, window_bounds = array<i64: 256, 128>}]} {
    %get3A = arith.constant 0 : index
    %get3A_0 = arith.constant 0 : index
    %get3A_1 = arith.constant 0 : index
    %get3A_2 = vector.load %arg1[%get3A, %get3A_0, %get3A_1] : memref<256x4x128xf32, #tpu.memory_space<vmem>>, vector<256x4x128xf32>
    %slice3A = vector.extract_strided_slice %get3A_2 {offsets = [0, 0, 0], sizes = [256, 1, 128], strides = [1, 1, 1]} : vector<256x4x128xf32> to vector<256x1x128xf32>
    %squeeze3A = vector.shape_cast %slice3A : vector<256x1x128xf32> to vector<256x128xf32>
    %get3A_3 = arith.constant 0 : index
    %get3A_4 = arith.constant 0 : index
    %get3A_5 = vector.load %arg2[%get3A_3, %get3A_4] : memref<128x32xf32, #tpu.memory_space<vmem>>, vector<128x32xf32>
    %dot_general3A = arith.constant dense<0.000000e+00> : vector<256x32xf32>
    %dot_general3A_6 = tpu.matmul %squeeze3A, %get3A_5, %dot_general3A {dimension_numbers = #tpu.dot_dimension_numbers<[1], [0], [0], [1], [0, 0, 1, 1], [], []>, precision = #tpu.contract_precision<fp32>, transpose_lhs_hint = false} : vector<256x128xf32>, vector<128x32xf32>, vector<256x32xf32> -> vector<256x32xf32>
    %slice3A_7 = vector.extract_strided_slice %get3A_2 {offsets = [0, 1, 0], sizes = [256, 1, 128], strides = [1, 1, 1]} : vector<256x4x128xf32> to vector<256x1x128xf32>
    %squeeze3A_8 = vector.shape_cast %slice3A_7 : vector<256x1x128xf32> to vector<256x128xf32>
    %get3A_9 = arith.constant 0 : index
    %get3A_10 = arith.constant 0 : index
    %get3A_11 = vector.load %arg2[%get3A_9, %get3A_10] : memref<128x32xf32, #tpu.memory_space<vmem>>, vector<128x32xf32>
    %dot_general3A_12 = arith.constant dense<0.000000e+00> : vector<256x32xf32>
    %dot_general3A_13 = tpu.matmul %squeeze3A_8, %get3A_11, %dot_general3A_12 {dimension_numbers = #tpu.dot_dimension_numbers<[1], [0], [0], [1], [0, 0, 1, 1], [], []>, precision = #tpu.contract_precision<fp32>, transpose_lhs_hint = false} : vector<256x128xf32>, vector<128x32xf32>, vector<256x32xf32> -> vector<256x32xf32>
    %slice3A_14 = vector.extract_strided_slice %get3A_2 {offsets = [0, 2, 0], sizes = [256, 1, 128], strides = [1, 1, 1]} : vector<256x4x128xf32> to vector<256x1x128xf32>
    %squeeze3A_15 = vector.shape_cast %slice3A_14 : vector<256x1x128xf32> to vector<256x128xf32>
    %get3A_16 = arith.constant 0 : index
    %get3A_17 = arith.constant 0 : index
    %get3A_18 = vector.load %arg2[%get3A_16, %get3A_17] : memref<128x32xf32, #tpu.memory_space<vmem>>, vector<128x32xf32>
    %dot_general3A_19 = arith.constant dense<0.000000e+00> : vector<256x32xf32>
    %dot_general3A_20 = tpu.matmul %squeeze3A_15, %get3A_18, %dot_general3A_19 {dimension_numbers = #tpu.dot_dimension_numbers<[1], [0], [0], [1], [0, 0, 1, 1], [], []>, precision = #tpu.contract_precision<fp32>, transpose_lhs_hint = false} : vector<256x128xf32>, vector<128x32xf32>, vector<256x32xf32> -> vector<256x32xf32>
    %slice3A_21 = vector.extract_strided_slice %get3A_2 {offsets = [0, 3, 0], sizes = [256, 1, 128], strides = [1, 1, 1]} : vector<256x4x128xf32> to vector<256x1x128xf32>
    %squeeze3A_22 = vector.shape_cast %slice3A_21 : vector<256x1x128xf32> to vector<256x128xf32>
    %get3A_23 = arith.constant 0 : index
    %get3A_24 = arith.constant 0 : index
    %get3A_25 = vector.load %arg2[%get3A_23, %get3A_24] : memref<128x32xf32, #tpu.memory_space<vmem>>, vector<128x32xf32>
    %dot_general3A_26 = arith.constant dense<0.000000e+00> : vector<256x32xf32>
    %dot_general3A_27 = tpu.matmul %squeeze3A_22, %get3A_25, %dot_general3A_26 {dimension_numbers = #tpu.dot_dimension_numbers<[1], [0], [0], [1], [0, 0, 1, 1], [], []>, precision = #tpu.contract_precision<fp32>, transpose_lhs_hint = false} : vector<256x128xf32>, vector<128x32xf32>, vector<256x32xf32> -> vector<256x32xf32>
    %slice3A_28 = vector.extract_strided_slice %get3A_2 {offsets = [0, 0, 0], sizes = [256, 1, 128], strides = [1, 1, 1]} : vector<256x4x128xf32> to vector<256x1x128xf32>
    %squeeze3A_29 = vector.shape_cast %slice3A_28 : vector<256x1x128xf32> to vector<256x128xf32>
    %get3A_30 = arith.constant 0 : index
    %get3A_31 = arith.constant 0 : index
    %get3A_32 = vector.load %arg3[%get3A_30, %get3A_31] : memref<128x32xf32, #tpu.memory_space<vmem>>, vector<128x32xf32>
    %dot_general3A_33 = arith.constant dense<0.000000e+00> : vector<256x32xf32>
    %dot_general3A_34 = tpu.matmul %squeeze3A_29, %get3A_32, %dot_general3A_33 {dimension_numbers = #tpu.dot_dimension_numbers<[1], [0], [0], [1], [0, 0, 1, 1], [], []>, precision = #tpu.contract_precision<fp32>, transpose_lhs_hint = false} : vector<256x128xf32>, vector<128x32xf32>, vector<256x32xf32> -> vector<256x32xf32>
    %slice3A_35 = vector.extract_strided_slice %get3A_2 {offsets = [0, 1, 0], sizes = [256, 1, 128], strides = [1, 1, 1]} : vector<256x4x128xf32> to vector<256x1x128xf32>
    %squeeze3A_36 = vector.shape_cast %slice3A_35 : vector<256x1x128xf32> to vector<256x128xf32>
    %get3A_37 = arith.constant 0 : index
    %get3A_38 = arith.constant 0 : index
    %get3A_39 = vector.load %arg3[%get3A_37, %get3A_38] : memref<128x32xf32, #tpu.memory_space<vmem>>, vector<128x32xf32>
    %dot_general3A_40 = arith.constant dense<0.000000e+00> : vector<256x32xf32>
    %dot_general3A_41 = tpu.matmul %squeeze3A_36, %get3A_39, %dot_general3A_40 {dimension_numbers = #tpu.dot_dimension_numbers<[1], [0], [0], [1], [0, 0, 1, 1], [], []>, precision = #tpu.contract_precision<fp32>, transpose_lhs_hint = false} : vector<256x128xf32>, vector<128x32xf32>, vector<256x32xf32> -> vector<256x32xf32>
    %slice3A_42 = vector.extract_strided_slice %get3A_2 {offsets = [0, 2, 0], sizes = [256, 1, 128], strides = [1, 1, 1]} : vector<256x4x128xf32> to vector<256x1x128xf32>
    %squeeze3A_43 = vector.shape_cast %slice3A_42 : vector<256x1x128xf32> to vector<256x128xf32>
    %get3A_44 = arith.constant 0 : index
    %get3A_45 = arith.constant 0 : index
    %get3A_46 = vector.load %arg3[%get3A_44, %get3A_45] : memref<128x32xf32, #tpu.memory_space<vmem>>, vector<128x32xf32>
    %dot_general3A_47 = arith.constant dense<0.000000e+00> : vector<256x32xf32>
    %dot_general3A_48 = tpu.matmul %squeeze3A_43, %get3A_46, %dot_general3A_47 {dimension_numbers = #tpu.dot_dimension_numbers<[1], [0], [0], [1], [0, 0, 1, 1], [], []>, precision = #tpu.contract_precision<fp32>, transpose_lhs_hint = false} : vector<256x128xf32>, vector<128x32xf32>, vector<256x32xf32> -> vector<256x32xf32>
    %slice3A_49 = vector.extract_strided_slice %get3A_2 {offsets = [0, 3, 0], sizes = [256, 1, 128], strides = [1, 1, 1]} : vector<256x4x128xf32> to vector<256x1x128xf32>
    %squeeze3A_50 = vector.shape_cast %slice3A_49 : vector<256x1x128xf32> to vector<256x128xf32>
    %get3A_51 = arith.constant 0 : index
    %get3A_52 = arith.constant 0 : index
    %get3A_53 = vector.load %arg3[%get3A_51, %get3A_52] : memref<128x32xf32, #tpu.memory_space<vmem>>, vector<128x32xf32>
    %dot_general3A_54 = arith.constant dense<0.000000e+00> : vector<256x32xf32>
    %dot_general3A_55 = tpu.matmul %squeeze3A_50, %get3A_53, %dot_general3A_54 {dimension_numbers = #tpu.dot_dimension_numbers<[1], [0], [0], [1], [0, 0, 1, 1], [], []>, precision = #tpu.contract_precision<fp32>, transpose_lhs_hint = false} : vector<256x128xf32>, vector<128x32xf32>, vector<256x32xf32> -> vector<256x32xf32>
    %concatenate3A = tpu.concatenate %dot_general3A_6, %dot_general3A_13, %dot_general3A_20, %dot_general3A_27 in 1 : vector<256x32xf32>, vector<256x32xf32>, vector<256x32xf32>, vector<256x32xf32> -> vector<256x128xf32>
    %swap3A = arith.constant 0 : index
    %swap3A_56 = arith.constant 0 : index
    %swap3A_57 = vector.load %arg4[%swap3A, %swap3A_56] : memref<256x128xf32, #tpu.memory_space<vmem>>, vector<256x128xf32>
    tpu.vector_store %arg4[%swap3A, %swap3A_56], %concatenate3A {strides = array<i32>} : memref<256x128xf32, #tpu.memory_space<vmem>>, vector<256x128xf32>,
    %concatenate3A_58 = tpu.concatenate %dot_general3A_34, %dot_general3A_41, %dot_general3A_48, %dot_general3A_55 in 1 : vector<256x32xf32>, vector<256x32xf32>, vector<256x32xf32>, vector<256x32xf32> -> vector<256x128xf32>
    %swap3A_59 = arith.constant 0 : index
    %swap3A_60 = arith.constant 0 : index
    %swap3A_61 = vector.load %arg5[%swap3A_59, %swap3A_60] : memref<256x128xf32, #tpu.memory_space<vmem>>, vector<256x128xf32>
    tpu.vector_store %arg5[%swap3A_59, %swap3A_60], %concatenate3A_58 {strides = array<i32>} : memref<256x128xf32, #tpu.memory_space<vmem>>, vector<256x128xf32>,
    return
  }
  func.func @transform_0(%arg0: i32) -> (i32, i32, i32) {
    %c0_i32 = arith.constant 0 : i32
    %c0_i32_0 = arith.constant 0 : i32
    %c0_i32_1 = arith.constant 0 : i32
    return %arg0, %c0_i32, %c0_i32_0 : i32, i32, i32
  }
  func.func @transform_1(%arg0: i32) -> (i32, i32) {
    %c0_i32 = arith.constant 0 : i32
    %c0_i32_0 = arith.constant 0 : i32
    %c0_i32_1 = arith.constant 0 : i32
    return %c0_i32, %c0_i32_0 : i32, i32
  }
  func.func @transform_2(%arg0: i32) -> (i32, i32) {
    %c0_i32 = arith.constant 0 : i32
    %c0_i32_0 = arith.constant 0 : i32
    %c0_i32_1 = arith.constant 0 : i32
    return %c0_i32, %c0_i32_0 : i32, i32
  }
  func.func @transform_3(%arg0: i32) -> (i32, i32) {
    %c0_i32 = arith.constant 0 : i32
    %c0_i32_0 = arith.constant 0 : i32
    return %arg0, %c0_i32 : i32, i32
  }
  func.func @transform_4(%arg0: i32) -> (i32, i32) {
    %c0_i32 = arith.constant 0 : i32
    %c0_i32_0 = arith.constant 0 : i32
    return %arg0, %c0_i32 : i32, i32
  }
}

module attributes {stable_mosaic.version = 14 : i64} {
  func.func @_tc2_body(%arg0: i32, %arg1: memref<256x128xf32, #tpu.memory_space<vmem>>, %arg2: memref<256x128xf32, #tpu.memory_space<vmem>>, %arg3: memref<256x128xf32, #tpu.memory_space<vmem>>, %arg4: memref<1x128xf32, #tpu.memory_space<vmem>>, %arg5: memref<1x1xf32, #tpu.memory_space<vmem>>, %arg6: memref<128x128xf32, #tpu.memory_space<vmem>>, %arg7: memref<128x128xf32, #tpu.memory_space<vmem>>, %arg8: memref<256x128xf32, #tpu.memory_space<vmem>>, %arg9: memref<256x128xf32, #tpu.memory_space<vmem>>) attributes {dimension_semantics = [#tpu.dimension_semantics<arbitrary>], iteration_bounds = array<i64: 10>, scalar_prefetch = 0 : i64, scratch_operands = 0 : i64, tpu.core_type = #tpu.core_type<tc>, window_params = [{transform_indices = @transform_0, window_bounds = array<i64: 256, 128>}, {transform_indices = @transform_1, window_bounds = array<i64: 256, 128>}, {transform_indices = @transform_2, window_bounds = array<i64: 256, 128>}, {pipeline_mode = #tpu.pipeline_mode<synchronous>, transform_indices = @transform_3, window_bounds = array<i64: 1, 128>}, {pipeline_mode = #tpu.pipeline_mode<synchronous>, transform_indices = @transform_4, window_bounds = array<i64: 1, 1>}, {pipeline_mode = #tpu.pipeline_mode<synchronous>, transform_indices = @transform_5, window_bounds = array<i64: 128, 128>}, {pipeline_mode = #tpu.pipeline_mode<synchronous>, transform_indices = @transform_6, window_bounds = array<i64: 128, 128>}, {transform_indices = @transform_7, window_bounds = array<i64: 256, 128>}, {transform_indices = @transform_8, window_bounds = array<i64: 256, 128>}]} {
    %get3A = arith.constant 0 : index
    %get3A_0 = arith.constant 0 : index
    %get3A_1 = vector.load %arg1[%get3A, %get3A_0] : memref<256x128xf32, #tpu.memory_space<vmem>>, vector<256x128xf32>
    %get3A_2 = arith.constant 0 : index
    %get3A_3 = arith.constant 0 : index
    %get3A_4 = vector.load %arg2[%get3A_2, %get3A_3] : memref<256x128xf32, #tpu.memory_space<vmem>>, vector<256x128xf32>
    %add3A = arith.addf %get3A_1, %get3A_4 : vector<256x128xf32>
    %get3A_5 = arith.constant 0 : index
    %get3A_6 = arith.constant 0 : index
    %get3A_7 = vector.load %arg4[%get3A_5, %get3A_6] : memref<1x128xf32, #tpu.memory_space<vmem>>, vector<1x128xf32>
    %add3A_8 = vector.broadcast %get3A_7 : vector<1x128xf32> to vector<256x128xf32>
    %add3A_9 = arith.addf %add3A, %add3A_8 : vector<256x128xf32>
    %get3A_10 = arith.constant 0 : index
    %get3A_11 = arith.constant 0 : index
    %get3A_12 = vector.load %arg3[%get3A_10, %get3A_11] : memref<256x128xf32, #tpu.memory_space<vmem>>, vector<256x128xf32>
    %add3A_13 = arith.addf %add3A_9, %get3A_12 : vector<256x128xf32>
    %gt3A = arith.constant 0.000000e+00 : f32
    %gt3A_14 = vector.broadcast %gt3A : f32 to vector<256x128xf32>
    %gt3A_15 = arith.cmpf ogt, %add3A_13, %gt3A_14 : vector<256x128xf32>
    %get3A_16 = arith.constant 0 : index
    %get3A_17 = arith.constant 0 : index
    %get3A_18 = vector.load %arg5[%get3A_16, %get3A_17] : memref<1x1xf32, #tpu.memory_space<vmem>>, vector<1x1xf32>
    %mul3A = vector.broadcast %get3A_18 : vector<1x1xf32> to vector<256x128xf32>
    %mul3A_19 = arith.mulf %mul3A, %add3A_13 : vector<256x128xf32>
    %select_n3A = arith.select %gt3A_15, %add3A_13, %mul3A_19 : vector<256x128xi1>, vector<256x128xf32>
    %get3A_20 = arith.constant 0 : index
    %get3A_21 = arith.constant 0 : index
    %get3A_22 = vector.load %arg6[%get3A_20, %get3A_21] : memref<128x128xf32, #tpu.memory_space<vmem>>, vector<128x128xf32>
    %dot_general3A = arith.constant dense<0.000000e+00> : vector<256x128xf32>
    %dot_general3A_23 = tpu.matmul %select_n3A, %get3A_22, %dot_general3A {dimension_numbers = #tpu.dot_dimension_numbers<[1], [0], [0], [1], [0, 0, 1, 1], [], []>, precision = #tpu.contract_precision<fp32>, transpose_lhs_hint = false} : vector<256x128xf32>, vector<128x128xf32>, vector<256x128xf32> -> vector<256x128xf32>
    %swap3A = arith.constant 0 : index
    %swap3A_24 = arith.constant 0 : index
    %swap3A_25 = vector.load %arg8[%swap3A, %swap3A_24] : memref<256x128xf32, #tpu.memory_space<vmem>>, vector<256x128xf32>
    tpu.vector_store %arg8[%swap3A, %swap3A_24], %dot_general3A_23 {strides = array<i32>} : memref<256x128xf32, #tpu.memory_space<vmem>>, vector<256x128xf32>,
    %get3A_26 = arith.constant 0 : index
    %get3A_27 = arith.constant 0 : index
    %get3A_28 = vector.load %arg7[%get3A_26, %get3A_27] : memref<128x128xf32, #tpu.memory_space<vmem>>, vector<128x128xf32>
    %dot_general3A_29 = arith.constant dense<0.000000e+00> : vector<256x128xf32>
    %dot_general3A_30 = tpu.matmul %select_n3A, %get3A_28, %dot_general3A_29 {dimension_numbers = #tpu.dot_dimension_numbers<[1], [0], [0], [1], [0, 0, 1, 1], [], []>, precision = #tpu.contract_precision<fp32>, transpose_lhs_hint = false} : vector<256x128xf32>, vector<128x128xf32>, vector<256x128xf32> -> vector<256x128xf32>
    %swap3A_31 = arith.constant 0 : index
    %swap3A_32 = arith.constant 0 : index
    %swap3A_33 = vector.load %arg9[%swap3A_31, %swap3A_32] : memref<256x128xf32, #tpu.memory_space<vmem>>, vector<256x128xf32>
    tpu.vector_store %arg9[%swap3A_31, %swap3A_32], %dot_general3A_30 {strides = array<i32>} : memref<256x128xf32, #tpu.memory_space<vmem>>, vector<256x128xf32>,
    return
  }
  func.func @transform_0(%arg0: i32) -> (i32, i32) {
    %c0_i32 = arith.constant 0 : i32
    %c0_i32_0 = arith.constant 0 : i32
    return %arg0, %c0_i32 : i32, i32
  }
  func.func @transform_1(%arg0: i32) -> (i32, i32) {
    %c0_i32 = arith.constant 0 : i32
    %c0_i32_0 = arith.constant 0 : i32
    return %arg0, %c0_i32 : i32, i32
  }
  func.func @transform_2(%arg0: i32) -> (i32, i32) {
    %c0_i32 = arith.constant 0 : i32
    %c0_i32_0 = arith.constant 0 : i32
    return %arg0, %c0_i32 : i32, i32
  }
  func.func @transform_3(%arg0: i32) -> (i32, i32) {
    %c0_i32 = arith.constant 0 : i32
    %c0_i32_0 = arith.constant 0 : i32
    %c0_i32_1 = arith.constant 0 : i32
    return %c0_i32, %c0_i32_0 : i32, i32
  }
  func.func @transform_4(%arg0: i32) -> (i32, i32) {
    %c0_i32 = arith.constant 0 : i32
    %c0_i32_0 = arith.constant 0 : i32
    %c0_i32_1 = arith.constant 0 : i32
    return %c0_i32, %c0_i32_0 : i32, i32
  }
  func.func @transform_5(%arg0: i32) -> (i32, i32) {
    %c0_i32 = arith.constant 0 : i32
    %c0_i32_0 = arith.constant 0 : i32
    %c0_i32_1 = arith.constant 0 : i32
    return %c0_i32, %c0_i32_0 : i32, i32
  }
  func.func @transform_6(%arg0: i32) -> (i32, i32) {
    %c0_i32 = arith.constant 0 : i32
    %c0_i32_0 = arith.constant 0 : i32
    %c0_i32_1 = arith.constant 0 : i32
    return %c0_i32, %c0_i32_0 : i32, i32
  }
  func.func @transform_7(%arg0: i32) -> (i32, i32) {
    %c0_i32 = arith.constant 0 : i32
    %c0_i32_0 = arith.constant 0 : i32
    return %arg0, %c0_i32 : i32, i32
  }
  func.func @transform_8(%arg0: i32) -> (i32, i32) {
    %c0_i32 = arith.constant 0 : i32
    %c0_i32_0 = arith.constant 0 : i32
    return %arg0, %c0_i32 : i32, i32
  }
}

module attributes {stable_mosaic.version = 14 : i64} {
  func.func @_tc3_body(%arg0: i32, %arg1: memref<256x128xf32, #tpu.memory_space<vmem>>, %arg2: memref<256x128xf32, #tpu.memory_space<vmem>>, %arg3: memref<256x128xf32, #tpu.memory_space<vmem>>, %arg4: memref<1x128xf32, #tpu.memory_space<vmem>>, %arg5: memref<1x1xf32, #tpu.memory_space<vmem>>, %arg6: memref<128x4xf32, #tpu.memory_space<vmem>>, %arg7: memref<1x4xf32, #tpu.memory_space<vmem>>, %arg8: memref<256x4xf32, #tpu.memory_space<vmem>>) attributes {dimension_semantics = [#tpu.dimension_semantics<arbitrary>], iteration_bounds = array<i64: 10>, scalar_prefetch = 0 : i64, scratch_operands = 0 : i64, tpu.core_type = #tpu.core_type<tc>, window_params = [{transform_indices = @transform_0, window_bounds = array<i64: 256, 128>}, {transform_indices = @transform_1, window_bounds = array<i64: 256, 128>}, {transform_indices = @transform_2, window_bounds = array<i64: 256, 128>}, {pipeline_mode = #tpu.pipeline_mode<synchronous>, transform_indices = @transform_3, window_bounds = array<i64: 1, 128>}, {pipeline_mode = #tpu.pipeline_mode<synchronous>, transform_indices = @transform_4, window_bounds = array<i64: 1, 1>}, {pipeline_mode = #tpu.pipeline_mode<synchronous>, transform_indices = @transform_5, window_bounds = array<i64: 128, 4>}, {pipeline_mode = #tpu.pipeline_mode<synchronous>, transform_indices = @transform_6, window_bounds = array<i64: 1, 4>}, {transform_indices = @transform_7, window_bounds = array<i64: 256, 4>}]} {
    %get3A = arith.constant 0 : index
    %get3A_0 = arith.constant 0 : index
    %get3A_1 = vector.load %arg1[%get3A, %get3A_0] : memref<256x128xf32, #tpu.memory_space<vmem>>, vector<256x128xf32>
    %get3A_2 = arith.constant 0 : index
    %get3A_3 = arith.constant 0 : index
    %get3A_4 = vector.load %arg2[%get3A_2, %get3A_3] : memref<256x128xf32, #tpu.memory_space<vmem>>, vector<256x128xf32>
    %add3A = arith.addf %get3A_1, %get3A_4 : vector<256x128xf32>
    %get3A_5 = arith.constant 0 : index
    %get3A_6 = arith.constant 0 : index
    %get3A_7 = vector.load %arg4[%get3A_5, %get3A_6] : memref<1x128xf32, #tpu.memory_space<vmem>>, vector<1x128xf32>
    %add3A_8 = vector.broadcast %get3A_7 : vector<1x128xf32> to vector<256x128xf32>
    %add3A_9 = arith.addf %add3A, %add3A_8 : vector<256x128xf32>
    %get3A_10 = arith.constant 0 : index
    %get3A_11 = arith.constant 0 : index
    %get3A_12 = vector.load %arg3[%get3A_10, %get3A_11] : memref<256x128xf32, #tpu.memory_space<vmem>>, vector<256x128xf32>
    %add3A_13 = arith.addf %add3A_9, %get3A_12 : vector<256x128xf32>
    %gt3A = arith.constant 0.000000e+00 : f32
    %gt3A_14 = vector.broadcast %gt3A : f32 to vector<256x128xf32>
    %gt3A_15 = arith.cmpf ogt, %add3A_13, %gt3A_14 : vector<256x128xf32>
    %get3A_16 = arith.constant 0 : index
    %get3A_17 = arith.constant 0 : index
    %get3A_18 = vector.load %arg5[%get3A_16, %get3A_17] : memref<1x1xf32, #tpu.memory_space<vmem>>, vector<1x1xf32>
    %mul3A = vector.broadcast %get3A_18 : vector<1x1xf32> to vector<256x128xf32>
    %mul3A_19 = arith.mulf %mul3A, %add3A_13 : vector<256x128xf32>
    %select_n3A = arith.select %gt3A_15, %add3A_13, %mul3A_19 : vector<256x128xi1>, vector<256x128xf32>
    %get3A_20 = arith.constant 0 : index
    %get3A_21 = arith.constant 0 : index
    %get3A_22 = vector.load %arg6[%get3A_20, %get3A_21] : memref<128x4xf32, #tpu.memory_space<vmem>>, vector<128x4xf32>
    %dot_general3A = arith.constant dense<0.000000e+00> : vector<256x4xf32>
    %dot_general3A_23 = tpu.matmul %select_n3A, %get3A_22, %dot_general3A {dimension_numbers = #tpu.dot_dimension_numbers<[1], [0], [0], [1], [0, 0, 1, 1], [], []>, precision = #tpu.contract_precision<fp32>, transpose_lhs_hint = false} : vector<256x128xf32>, vector<128x4xf32>, vector<256x4xf32> -> vector<256x4xf32>
    %get3A_24 = arith.constant 0 : index
    %get3A_25 = arith.constant 0 : index
    %get3A_26 = vector.load %arg7[%get3A_24, %get3A_25] : memref<1x4xf32, #tpu.memory_space<vmem>>, vector<1x4xf32>
    %add3A_27 = vector.broadcast %get3A_26 : vector<1x4xf32> to vector<256x4xf32>
    %add3A_28 = arith.addf %dot_general3A_23, %add3A_27 : vector<256x4xf32>
    %swap3A = arith.constant 0 : index
    %swap3A_29 = arith.constant 0 : index
    %swap3A_30 = vector.load %arg8[%swap3A, %swap3A_29] : memref<256x4xf32, #tpu.memory_space<vmem>>, vector<256x4xf32>
    tpu.vector_store %arg8[%swap3A, %swap3A_29], %add3A_28 {strides = array<i32>} : memref<256x4xf32, #tpu.memory_space<vmem>>, vector<256x4xf32>,
    return
  }
  func.func @transform_0(%arg0: i32) -> (i32, i32) {
    %c0_i32 = arith.constant 0 : i32
    %c0_i32_0 = arith.constant 0 : i32
    return %arg0, %c0_i32 : i32, i32
  }
  func.func @transform_1(%arg0: i32) -> (i32, i32) {
    %c0_i32 = arith.constant 0 : i32
    %c0_i32_0 = arith.constant 0 : i32
    return %arg0, %c0_i32 : i32, i32
  }
  func.func @transform_2(%arg0: i32) -> (i32, i32) {
    %c0_i32 = arith.constant 0 : i32
    %c0_i32_0 = arith.constant 0 : i32
    return %arg0, %c0_i32 : i32, i32
  }
  func.func @transform_3(%arg0: i32) -> (i32, i32) {
    %c0_i32 = arith.constant 0 : i32
    %c0_i32_0 = arith.constant 0 : i32
    %c0_i32_1 = arith.constant 0 : i32
    return %c0_i32, %c0_i32_0 : i32, i32
  }
  func.func @transform_4(%arg0: i32) -> (i32, i32) {
    %c0_i32 = arith.constant 0 : i32
    %c0_i32_0 = arith.constant 0 : i32
    %c0_i32_1 = arith.constant 0 : i32
    return %c0_i32, %c0_i32_0 : i32, i32
  }
  func.func @transform_5(%arg0: i32) -> (i32, i32) {
    %c0_i32 = arith.constant 0 : i32
    %c0_i32_0 = arith.constant 0 : i32
    %c0_i32_1 = arith.constant 0 : i32
    return %c0_i32, %c0_i32_0 : i32, i32
  }
  func.func @transform_6(%arg0: i32) -> (i32, i32) {
    %c0_i32 = arith.constant 0 : i32
    %c0_i32_0 = arith.constant 0 : i32
    %c0_i32_1 = arith.constant 0 : i32
    return %c0_i32, %c0_i32_0 : i32, i32
  }
  func.func @transform_7(%arg0: i32) -> (i32, i32) {
    %c0_i32 = arith.constant 0 : i32
    %c0_i32_0 = arith.constant 0 : i32
    return %arg0, %c0_i32 : i32, i32
  }
}

</mosaic_0001>

<sc_bundles>
// kernel: kernel.10.cloned.1.call-start
scs
__scs_entry_jumppad:
0x0: {  	(pc) =	sbr.rel $0x88, $3  }
0x1: {  	(tag) =	ssettag $0x0;
	lr =	simm.s32 $0x1  }
0x2: {  	[smem:$0x3F95] =	sst lr;
	_ =	strace $0xD0000000  }
0x3: {  	_ = 	snop  }
0x4: {  	_ = 	snop  }
0x5: {  	_ = 	snop  }
0x6: {  	_ = 	snop  }
0x7: {  	_ = 	snop  }
__scs_overlays_trampoline_lowered:
0x8: {  	[smem:$0x3FA4] =	sst s0  }
0x9: {  	[smem:$0x3FA5] =	sst s1  }
0xa: {  	[smem:$0x3FA6] =	sst s2  }
0xb: {  	[smem:$0x3FA7] =	sst s3  }
0xc: {  	[smem:$0x3FA8] =	sst s4  }
0xd: {  	[smem:$0x3FA9] =	sst s5  }
0xe: {  	[smem:$0x3FAA] =	sst s6  }
0xf: {  	[smem:$0x3FAB] =	sst s7  }
0x10: {  	[smem:$0x3FAC] =	sst s8  }
0x11: {  	[smem:$0x3FAD] =	sst s9;
	s0 =	simm.s32 @!p0 $0x0  }
0x12: {  	s1 =	sld [smem:$0x3F93];
	s0 =	simm.s32 @p0 $0x1  }
0x13: {  	[smem:$0x3FAE] =	sst s0;
	s0 =	simm.s32 @!p1 $0x0  }
0x14: {  	s2 =	sld [smem:$0x3F92];
	s0 =	simm.s32 @p1 $0x1  }
0x15: {  	[smem:$0x3FAF] =	sst s0;
	s0 =	simm.s32 @!p2 $0x0  }
0x16: {  	s3 =	sld [smem:$0x3FDB];
	s0 =	simm.s32 @p2 $0x1  }
0x17: {  	s4 =	simm.s32 $0x1BF5;
	[smem:$0x3FB1] =	sst s0  }
0x18: {  	s0 =	sld [smem:$0x3F94];
	_ =	swait.ge [sflag:s4], $0x0  }
0x19: {  	s7 =	sld [smem:$0x3F95]  }
0x1a: {  	s8 =	sadd.s32 $0xFFFFE003, lr  }
0x1b: {  	s9 =	sadd.s32 $0xFFFFFEF7, lr;
	s5 =	simm.s32 $0xFFFFFFFF;
	p2 =	slt.u32 s8, $0xFFFFF086  }
0x1c: {  	p1 =	slt.u32 s9, $0xF7A;
	s5 =	simm.s32 @!p2 $0x0  }
0x1d: {  	s5 =	simm.s32 @p1 $0x1;
	p0 =	seq.s32 s7, s2  }
0x1e: {  	s7 =	smul.u32 @!p0 $0xF7A, s2;
	p2 =	seq.s32 @!p0 s5, $0x0  }
0x1f: {  	s9 =	smul.u32 $0xF7A, s1;
	s8 =	simm.s32 @!p0 $0x1BF5;
	p2 =	por !p2, p0  }
0x20: {  	[sflag:s8] =	ssyncset.s32 @!p0 $0xFFFFF086;
	s6 =	sadd.s32 @!p0 s3, s7;
	s7 =	simm.s32 @!p0 $0x108  }
0x21: {  	s3 =	sadd.s32 s3, s9;
	s6 =	sadd.s32 @!p0 $0x88, s6;
	s7 =	simm.s32 @p2 $0x1082  }
0x22: {  	[simem:s7], [sflag:s8] =	dma.local @!p0 [hbm:s6], $0xF7A  }
0x23: {  	s9 =	sor.u32 $0xD0000000, s2;
	s6 =	simm.s32 $0x108;
	_ =	swait.ge @!p0 [sflag:s8], $0x0  }
0x24: {  	s3 =	sadd.s32 $0x88, s3;
	s6 =	simm.s32 @!p1 $0x1082;
	[sflag:s4] =	ssyncset.s32 $0xFFFFF086  }
0x25: {  	[simem:s6], [sflag:s4] =	dma.local [hbm:s3], $0xF7A  }
0x26: {  	[smem:$0x3F95] =	sst s1;
	(tag) =	ssettag s2;
	_ =	strace s9  }
0x27: {  	s1 =	sld [smem:$0x3FA5]  }
0x28: {  	s2 =	sld [smem:$0x3FA6]  }
0x29: {  	s4 =	sld [smem:$0x3FA8]  }
0x2a: {  	p0 =	seq.s32 s5, $0x0;
	s5 =	sld [smem:$0x3FA9]  }
0x2b: {  	s6 =	sld [smem:$0x3FAA]  }
0x2c: {  	s7 =	sld [smem:$0x3FAB]  }
0x2d: {  	s3 =	simm.s32 $0x108;
	s8 =	sld [smem:$0x3FAC]  }
0x2e: {  	s3 =	simm.s32 @!p0 $0x1082;
	s9 =	sld [smem:$0x3FAD]  }
0x2f: {  	lr =	sadd.s32 s0, s3;
	s0 =	sld [smem:$0x3FA4]  }
0x30: {  	s3 =	sld [smem:$0x3FA7]  }
0x31: {  	[smem:$0x3FB0] =	sst s10  }
0x32: {  	s10 =	sld [smem:$0x3FAE];
	_ =	sdelay $0x3  }
0x33: {  	p0 =	seq.s32 s10, $0x1;
	s10 =	sld [smem:$0x3FB0];
	_ =	sdelay $0x3  }
0x34: {  	[smem:$0x3FB0] =	sst s10  }
0x35: {  	s10 =	sld [smem:$0x3FAF];
	_ =	sdelay $0x3  }
0x36: {  	p1 =	seq.s32 s10, $0x1;
	s10 =	sld [smem:$0x3FB0];
	_ =	sdelay $0x3  }
0x37: {  	[smem:$0x3FB0] =	sst s10  }
0x38: {  	s10 =	sld [smem:$0x3FB1]  }
0x39: {  	_ = 	snop;
	(pc) =	sbr.ind lr, $3  }
0x3a: {  	_ = 	snop  }
0x3b: {  	_ = 	snop  }
0x3c: {  	p2 =	seq.s32 s10, $0x1;
	s10 =	sld [smem:$0x3FB0]  }
0x3d: {  	_ =	shalt  }
0x3e: {  	_ =	shalt  }
0x3f: {  	_ =	shalt  }
0x40: {  	_ =	shalt  }
0x41: {  	_ =	shalt  }
0x42: {  	_ =	shalt  }
0x43: {  	_ =	shalt  }
0x44: {  	_ =	shalt  }
0x45: {  	_ =	shalt  }
0x46: {  	_ =	shalt  }
0x47: {  	_ =	shalt  }
0x48: {  	_ =	shalt  }
0x49: {  	_ =	shalt  }
0x4a: {  	_ =	shalt  }
0x4b: {  	_ =	shalt  }
0x4c: {  	_ =	shalt  }
0x4d: {  	_ =	shalt  }
0x4e: {  	_ =	shalt  }
0x4f: {  	_ =	shalt  }
0x50: {  	_ =	shalt  }
0x51: {  	_ =	shalt  }
0x52: {  	_ =	shalt  }
0x53: {  	_ =	shalt  }
0x54: {  	_ =	shalt  }
0x55: {  	_ =	shalt  }
0x56: {  	_ =	shalt  }
0x57: {  	_ =	shalt  }
0x58: {  	_ =	shalt  }
0x59: {  	_ =	shalt  }
0x5a: {  	_ =	shalt  }
0x5b: {  	_ =	shalt  }
0x5c: {  	_ =	shalt  }
0x5d: {  	_ =	shalt  }
0x5e: {  	_ =	shalt  }
0x5f: {  	_ =	shalt  }
0x60: {  	_ =	shalt  }
0x61: {  	_ =	shalt  }
0x62: {  	_ =	shalt  }
0x63: {  	_ =	shalt  }
0x64: {  	_ =	shalt  }
0x65: {  	_ =	shalt  }
0x66: {  	_ =	shalt  }
0x67: {  	_ =	shalt  }
0x68: {  	_ =	shalt  }
0x69: {  	_ =	shalt  }
0x6a: {  	_ =	shalt  }
0x6b: {  	_ =	shalt  }
0x6c: {  	_ =	shalt  }
0x6d: {  	_ =	shalt  }
0x6e: {  	_ =	shalt  }
0x6f: {  	_ =	shalt  }
0x70: {  	_ =	shalt  }
0x71: {  	_ =	shalt  }
0x72: {  	_ =	shalt  }
0x73: {  	_ =	shalt  }
0x74: {  	_ =	shalt  }
0x75: {  	_ =	shalt  }
0x76: {  	_ =	shalt  }
0x77: {  	_ =	shalt  }
0x78: {  	_ =	shalt  }
0x79: {  	_ =	shalt  }
0x7a: {  	_ =	shalt  }
0x7b: {  	_ =	shalt  }
0x7c: {  	_ =	shalt  }
0x7d: {  	_ =	shalt  }
0x7e: {  	_ =	shalt  }
0x7f: {  	_ =	shalt  }
0x80: {  	_ =	shalt  }
0x81: {  	_ =	shalt  }
0x82: {  	_ =	shalt  }
0x83: {  	_ =	shalt  }
0x84: {  	_ =	shalt  }
0x85: {  	_ =	shalt  }
0x86: {  	_ =	shalt  }
0x87: {  	_ =	shalt  }
.Lfunc_end0:
.L_simem_size_0:
called_computation.1_lowered:
.L_overlay_start_0:
0x88: {  	s2 =	sld [smem:$0x3FD9]  }
0x89: {  	s3 =	sld [smem:$0x3FFE];
	_ =	sdelay $0x1  }
0x8a: {  	s1 =	srdreg.scid  }
0x8b: {  	s0 =	sand.u32 $0x1, s1  }
0x8c: {  	s16 =	sshll.u32 s0, $0xA;
	s2 =	sadd.s32 s3, s2  }
0x8d: {  	s2 =	sadd.s32 s2, s16  }
0x8e: {  	[smem:$0x3FBC] =	sst s2  }
0x8f: {  	_ = 	snop  }
0x90: {  	(tm) =	ssettm $0x1  }
0x91: {  	s17 =	sld [smem:$0x3FFB];
	_ =	sdelay $0x3  }
0x92: {  	_ =	strace s17  }
0x93: {  	s2 =	sld [smem:$0x3FFC];
	_ =	sdelay $0x3  }
0x94: {  	_ =	strace s2  }
0x95: {  	s2 =	sld [smem:$0x3FFD];
	_ =	sdelay $0x3  }
0x96: {  	_ =	strace s2  }
0x97: {  	_ =	strace $0x8FFFFFFF  }
0x98: {  	s18 =	sld [smem:$0x3FDB];
	_ =	sdelay $0x1  }
0x99: {  	s19 =	simm.s32 $_scs_section_size  }
0x9a: {  	s4 =	simm.s32 $_size__tile_overlayer_lowered;
	s5 =	simm.s32 $_tile_overlayer_lowered  }
0x9b: {  	s22 =	simm.s32 $0x1BFF;
	s21 =	sshll.u32 s5, $0x1;
	s2 =	sadd.s32 s19, s18  }
0x9c: {  	s6 =	simm.s32 $0x0;
	s20 =	sshll.u32 s4, $0x1;
	s4 =	sadd.s32 s21, s2  }
0x9d: {  	[timem:s6], [sflag:s22] =	dma.local [hbm:s4], s20  }
0x9e: {  	_ =	swait.ge [sflag:s22], s20  }
0x9f: {  	s3 =	ssub.s32 $0x0, s20;
	[sflag:s22] =	ssyncset.done $0x0  }
0xa0: {  	[sflag:s22] =	ssyncadd.s32 s3;
	_ =	sdelay $0x1  }
0xa1: {  	s23 =	simm.s32 $0x1B8B  }
0xa2: {  	_ =	swait.ge [sflag:s23], $0x1  }
0xa3: {  	[sflag:s23] =	ssyncset.done $0x0  }
0xa4: {  	s25 =	simm.s32 $0x1B8E;
	s24 =	sld [smem:$0x3FFE];
	[sflag:s23] =	ssyncadd.s32 $0xFFFFFFFF  }
0xa5: {  	s26 =	simm.s32 $execute0_lowered;
	[smem:$0x3FD2] =	sst s25  }
0xa6: {  	s4 =	sshll.u32 s26, $0x1;
	_ =	strace $0x80000049;
	[dreg:$0x1] =	wrdreg $0xFFFFFFFF  }
0xa7: {  	s28 =	simm.s32 $_size_execute0_lowered;
	s2 =	sadd.s32 s2, s4;
	[dreg:$0x0] =	wrdreg $0x0  }
0xa8: {  	s4 =	sshll.u32 s28, $0x1;
	[dreg:$0x2] =	wrdreg s2  }
0xa9: {  	[dreg:$0x3] =	wrdreg s4  }
0xaa: {  	[dreg:$0x4] =	wrdreg $0xC0  }
0xab: {  	_ =	task [dreg:s6], $0x5FFFF  }
0xac: {  	[dreg:$0x1] =	wrdreg $0xFFFFFFFF  }
0xad: {  	[dreg:$0x0] =	wrdreg $0x60  }
0xae: {  	[dreg:$0x2] =	wrdreg s24  }
0xaf: {  	[dreg:$0x3] =	wrdreg $0x0  }
0xb0: {  	[dreg:$0x4] =	wrdreg $0x9  }
0xb1: {  	_ =	task.clear_ibuf [dreg:s6], $0x5FFFF;
	_ =	strace $0x90000049  }
0xb2: {  	s29 =	simm.s32 $0x9;
	_ =	strace $0x8000004B  }
0xb3: {  	_ =	swait.ge [sflag:s29], $0x1  }
0xb4: {  	[sflag:s29] =	ssyncadd.s32 $0xFFFFFFFF  }
0xb5: {  	_ =	strace $0x9000004B  }
0xb6: {  	_ =	sfence  }
0xb7: {  	s30 =	sld [smem:$0x0];
	_ =	sdelay $0x2  }
0xb8: {  	s31 =	sshll.u32 s1, $0xD;
	s1 =	sshrl.u32 s1, $0x2  }
0xb9: {  	s3 =	sand.u32 $0x4000, s31;
	s1 =	sadd.s32 s1, s30  }
0xba: {  	s0 =	sor.u32 s3, s0;
	s1 =	sshll.u32 s1, $0x11  }
0xbb: {  	s0 =	sor.u32 s1, s0  }
0xbc: {  	s0 =	sadd.s32 $0x8F2B, s0  }
0xbd: {  	[sflag:s0] =	ssyncadd.remote.s32 $0x1  }
0xbe: {  	_ =	sfence.sel $0xFFFF  }
0xbf: {  	[dreg:$0x0] =	wrdreg $0xFFFFFFFF;
	(pc) =	sbr.abs _section_cstart, $3  }
0xc0: {  	[dreg:$0x1] =	wrdreg $0xFFFFFFFF  }
0xc1: {  	_ =	task.clear_ibuf [dreg:s6], $0x2FFFF;
	_ =	strace $0x9FFFFFFF  }
0xc2: {  	(tm) =	ssettm $0x7FFFFFFF  }
0xc3: {  	_ =	shalt  }
tec
execute0_lowered:
.L_overlay_start_1:
0x0: {  	(tag) =	ssettag $0x1  }
0x1: {  	s0 =	srdreg.scid;
	s13 =	rddreg [dreg:$0x0]  }
0x2: {  	s2 =	rddreg [dreg:$0x1];
	s3 =	simm.s32 $0x0;
	s17 =	simm.s32 $0x2A000  }
0x3: {  	s18 =	simm.s32 $0x4E20;
	s19 =	simm.s32 $0x9D20;
	s20 =	simm.s32 $0x4EA0  }
0x4: {  	s21 =	simm.s32 $0xAD20;
	s22 =	simm.s32 $0x4F20;
	s23 =	simm.s32 $0xBD20  }
0x5: {  	s10 =	sand.u32 $0x1, s0;
	s0 =	stileid.u32;
	[smem:$0x7FF] =	sst s3  }
0x6: {  	s4 =	sadd.s32 $0x16400, s13;
	s1 =	sshll.u32 s10, $0x4;
	s7 =	smul.u32 $0x13880, s0  }
0x7: {  	s31 =	ssub.s32 $0x2, s10;
	s14 =	smul.u32 $0x4E20, s0;
	s15 =	sor.u32 s0, s1  }
0x8: {  	_ =	strace $0x8000004A;
	s8 =	sshrl.u32 s31, $0x1;
	s5 =	smul.u32 $0x4E, s15  }
0x9: {  	s6 =	smin.u32 s15, $0x4;
	p0 =	slt.u32 s15, $0x4;
	s7 =	sshrl.u32 s7, $0x2  }
0xa: {  	s16 =	ssub.s32 s31, s8;
	s11 =	sadd.s32 s7, s2;
	s5 =	sadd.s32 s6, s5  }
0xb: {  	s6 =	sadd.s32 s14, s2;
	s7 =	sadd.s32 $0x1000, s11;
	s5 =	sshll.u32 s5, $0x4  }
0xc: {  	s8 =	sadd.s32 $0x2000, s11;
	s12 =	sadd.s32 s5, s13;
	s5 =	simm.s32 $0x4F  }
0xd: {  	s9 =	sadd.s32 $0x3000, s11;
	s14 =	sshrl.u32 s14, $0x3;
	s5 =	simm.s32 @!p0 $0x4E  }
0xe: {  	p0 =	seq.s32 s10, $0x1;
	s10 =	sadd.s32 $0x4000, s11;
	s11 =	sadd.s32 $0xC600, s12  }
0xf: {  	s12 =	sadd.s32 $0x2800, s12;
	s17 =	simm.s32 @!p0 $0x20200;
	p0 =	sgt.u32 s15, $0x3  }
0x10: {  	s15 =	simm.s32 $0xCD20;
	s17 =	sadd.s32 s17, s13;
	s13 =	smax.u32 s16, $0x1  }
0x11: {  	v0 =	vimm.f32 $0.0e+00;
	s16 =	simm.s32 $0x5;
	s14 =	sadd.s32 s17, s14;
	s17 =	simm.s32 $0x80  }
.LBB2_1:
0x12: {  	s24 =	simm.s32 $0x80;
	s25 =	simm.s32 $0x0  }
.LBB2_2:
0x13: {  	p1 =	sne.s32 s24, $0x3F80;
	[tilespmem:s25+$0xCD20] =	vst v0;
	s26 =	smov.u32 s24;
	s24 =	sadd.s32 $0x80, s24  }
.Ltmp0:
0x14: {  	[tilespmem:s25+$0xCD30] =	vst v0;
	(pc) =	sbr.rel @p1 .LBB2_2-.Ltmp0, $2  }
0x15: {  	_ =	sdelay $0x2  }
0x16: {  	s25 =	sshra.s32 s26, $0x2  }
0x17: {  	[tilespmem:s25+$0xCD20] =	vst v0  }
0x18: {  	[tilespmem:s25+$0xCD30] =	vst v0  }
0x19: {  	[spmem:s6] =	stream.linear.scatter [tilespmem:s15], [sflag:$0x5], $0x1000, $0x38;
	[tilespmem:$0xDD20] =	vst v63  }
0x1a: {  	_ =	swait.ge [sflag:s16], $0x1000  }
0x1b: {  	[sflag:s16] =	ssyncset.done $0x0  }
0x1c: {  	[sflag:s16] =	ssyncadd.s32 $0xFFFFF000  }
0x1d: {  	[spmem:s7] =	stream.linear.scatter [tilespmem:s15], [sflag:$0x5], $0x1000, $0x38;
	[tilespmem:$0xDD20] =	vst v63  }
0x1e: {  	_ =	swait.ge [sflag:s16], $0x1000  }
0x1f: {  	[sflag:s16] =	ssyncset.done $0x0  }
0x20: {  	[sflag:s16] =	ssyncadd.s32 $0xFFFFF000  }
0x21: {  	[spmem:s8] =	stream.linear.scatter [tilespmem:s15], [sflag:$0x5], $0x1000, $0x38;
	[tilespmem:$0xDD20] =	vst v63  }
0x22: {  	_ =	swait.ge [sflag:s16], $0x1000  }
0x23: {  	[sflag:s16] =	ssyncset.done $0x0  }
0x24: {  	[sflag:s16] =	ssyncadd.s32 $0xFFFFF000  }
0x25: {  	[spmem:s9] =	stream.linear.scatter [tilespmem:s15], [sflag:$0x5], $0x1000, $0x38;
	[tilespmem:$0xDD20] =	vst v63  }
0x26: {  	_ =	swait.ge [sflag:s16], $0x1000  }
0x27: {  	[sflag:s16] =	ssyncset.done $0x0  }
0x28: {  	[sflag:s16] =	ssyncadd.s32 $0xFFFFF000  }
0x29: {  	[spmem:s10] =	stream.linear.scatter [tilespmem:s15], [sflag:$0x5], $0xE20, $0x38;
	[tilespmem:$0xDD20] =	vst v63  }
0x2a: {  	_ =	swait.ge [sflag:s16], $0xE20  }
0x2b: {  	[sflag:s16] =	ssyncset.done $0x0  }
0x2c: {  	s24 =	simm.s32 @p0 $0x0;
	s25 =	simm.s32 @p0 $0x4E20;
	[sflag:s16] =	ssyncadd.s32 $0xFFFFF1E0  }
0x2d: {  	[tilespmem:s25], [sflag:$0x5] =	stream.linear.gather @p0 [hbm4b:s11+s24], $0x2700, $0x38;
	[tilespmem:$0xDD20] =	vst v63  }
0x2e: {  	s25 =	simm.s32 @p0 $0x5  }
0x2f: {  	_ =	swait.ge @p0 [sflag:s25], $0x2700  }
0x30: {  	[sflag:s25] =	ssyncset.done @p0 $0x0  }
0x31: {  	s26 =	simm.s32 @p0 $0x75A0;
	[sflag:s25] =	ssyncadd.s32 @p0 $0xFFFFD900  }
0x32: {  	[tilespmem:s26], [sflag:$0x5] =	stream.linear.gather @p0 [hbm4b:s12+s24], $0x2700, $0x38;
	[tilespmem:$0xDD20] =	vst v63  }
0x33: {  	_ =	swait.ge @p0 [sflag:s25], $0x2700  }
0x34: {  	[sflag:s25] =	ssyncset.done @p0 $0x0  }
0x35: {  	s24 =	simm.s32 @!p0 $0x0;
	[sflag:s25] =	ssyncadd.s32 @p0 $0xFFFFD900;
	s25 =	simm.s32 @!p0 $0x4E20  }
0x36: {  	[tilespmem:s25], [sflag:$0x5] =	stream.linear.gather @!p0 [hbm4b:s11+s24], $0x2780, $0x38;
	[tilespmem:$0xDD20] =	vst v63  }
0x37: {  	s25 =	simm.s32 @!p0 $0x5  }
0x38: {  	_ =	swait.ge @!p0 [sflag:s25], $0x2780  }
0x39: {  	[sflag:s25] =	ssyncset.done @!p0 $0x0  }
0x3a: {  	s26 =	simm.s32 @!p0 $0x75A0;
	[sflag:s25] =	ssyncadd.s32 @!p0 $0xFFFFD880  }
0x3b: {  	[tilespmem:s26], [sflag:$0x5] =	stream.linear.gather @!p0 [hbm4b:s12+s24], $0x2780, $0x38;
	[tilespmem:$0xDD20] =	vst v63  }
0x3c: {  	_ =	swait.ge @!p0 [sflag:s25], $0x2780  }
0x3d: {  	[sflag:s25] =	ssyncset.done @!p0 $0x0  }
0x3e: {  	[sflag:s25] =	ssyncadd.s32 @!p0 $0xFFFFD880  }
0x3f: {  	p3 =	sne.s32 s5, $0x1;
	[bflag:$0x0] =	sbarrier.arrive $0xFFFF  }
0x40: {  	[tilespmem:s19], [sflag:$0x1] =	stream.indirect.gather [hbm4b:s4+s17], $0x20, s18, s17, $0xb8;
	[tilespmem:$0xDD20] =	vst v63  }
.Ltmp1:
0x41: {  	s28 =	simm.s32 $0x0;
	(pc) =	sbr.rel @!p3 .LBB2_8-.Ltmp1, $4  }
0x42: {  	s29 =	simm.s32 $0x3;
	p2 =	sle.u32 s5, $0x3;
	p1 =	por $0x0, $0x0  }
0x43: {  	[tilespmem:s21], [sflag:$0x2] =	stream.indirect.gather [hbm4b:s4+s17], $0x20, s20, s17, $0xb8;
	[tilespmem:$0xDD20] =	vst v63  }
0x44: {  	s24 =	simm.s32 $0x75A0;
	s26 =	simm.s32 $0x1;
	s25 =	simm.s32 $0x4FA0  }
0x45: {  	[tilespmem:s23], [sflag:$0x3] =	stream.indirect.gather [hbm4b:s4+s17], $0x20, s22, s17, $0xb8;
	[tilespmem:$0xDD20] =	vst v63  }
0x46: {  	s29 =	sand.u32 @!p2 $0x3, s29  }
0x47: {  	s31 =	simm.s32 @!p2 $0x80;
	s30 =	sshll.u32 @!p2 s29, $0xC  }
0x48: {  	s1 =	sand.u32 $0x3, s28;
	s29 =	sadd.s32 @!p2 $0x1, s29;
	s30 =	sadd.s32 @!p2 $0x9D20, s30  }
0x49: {  	[tilespmem:s30], [sflag:s29] =	stream.indirect.gather @!p2 [hbm4b:s4+s31], $0x20, s25, s31, $0xb8;
	[tilespmem:$0xDD20] =	vst v63  }
0x4a: {  	s28 =	simm.s32 $0x2;
	p3 =	sne.s32 s5, $0x2;
	s31 =	sadd.s32 $0x1, s1  }
.Ltmp2:
0x4b: {  	p1 =	por $0x1, $0x1;
	_ =	swait.ge [sflag:s31], $0x1000;
	(pc) =	sbr.rel @!p3 .LBB2_5-.Ltmp2, $4  }
0x4c: {  	s1 =	sshll.u32 s1, $0xC;
	s29 =	simm.s32 $0x4;
	[sflag:s31] =	ssyncset.done $0x0  }
0x4d: {  	s25 =	simm.s32 $0x5020;
	s1 =	sadd.s32 $0x9D20, s1;
	[sflag:s31] =	ssyncadd.s32 $0xFFFFF000  }
0x4e: {  	[spmem:s2] =	stream.indirect.scatter.add.f32 [tilespmem:s1], [sflag:$0x5], $0x20, s24, s17, $0xb8;
	[tilespmem:$0xDD20] =	vst v63  }
0x4f: {  	p2 =	sle.u32 s5, $0x4;
	s24 =	simm.s32 $0x7620;
	_ =	swait.ge [sflag:s16], $0x1000  }
.LBB2_6:
0x50: {  	s1 =	sand.u32 @!p2 $0x3, s29  }
0x51: {  	[sflag:s16] =	ssyncset.done $0x0;
	s29 =	smov.u32 s28;
	s28 =	sadd.s32 $0x1, s28  }
0x52: {  	s30 =	sshll.u32 @!p2 s1, $0xC;
	s1 =	sadd.s32 @!p2 $0x1, s1;
	[sflag:s16] =	ssyncadd.s32 $0xFFFFF000  }
0x53: {  	s31 =	simm.s32 @!p2 $0x80;
	s26 =	sand.u32 $0x3, s26;
	s30 =	sadd.s32 @!p2 $0x9D20, s30  }
0x54: {  	[tilespmem:s30], [sflag:s1] =	stream.indirect.gather @!p2 [hbm4b:s4+s31], $0x20, s25, s31, $0xb8;
	[tilespmem:$0xDD20] =	vst v63  }
0x55: {  	p3 =	sne.s32 s5, s28;
	s1 =	sshll.u32 s26, $0xC;
	s30 =	sadd.s32 $0x1, s26  }
.Ltmp3:
0x56: {  	s26 =	smov.u32 s29;
	_ =	swait.ge [sflag:s30], $0x1000;
	(pc) =	sbr.rel @p3 .LBB2_6-.Ltmp3, $4  }
0x57: {  	s1 =	sadd.s32 $0x9D20, s1;
	[sflag:s30] =	ssyncset.done $0x0  }
0x58: {  	s25 =	sadd.s32 $0x80, s25;
	s29 =	sadd.s32 $0x3, s26;
	[sflag:s30] =	ssyncadd.s32 $0xFFFFF000  }
0x59: {  	[spmem:s2] =	stream.indirect.scatter.add.f32 [tilespmem:s1], [sflag:$0x5], $0x20, s24, s17, $0xb8;
	[tilespmem:$0xDD20] =	vst v63  }
0x5a: {  	p2 =	sge.u32 s29, s5;
	s24 =	sadd.s32 $0x80, s24;
	_ =	swait.ge [sflag:s16], $0x1000  }
0x5b: {  	s28 =	smov.u32 s26  }
.LBB2_8:
0x5c: {  	s1 =	sand.u32 @!p2 $0x3, s29;
	[sflag:s16] =	ssyncset.done @p1 $0x0  }
0x5d: {  	s29 =	simm.s32 @!p2 $0x80;
	s28 =	sand.u32 $0x3, s28;
	s26 =	sshll.u32 @!p2 s1, $0xC  }
0x5e: {  	s1 =	sadd.s32 @!p2 $0x1, s1;
	[sflag:s16] =	ssyncadd.s32 @p1 $0xFFFFF000;
	s26 =	sadd.s32 @!p2 $0x9D20, s26  }
0x5f: {  	[tilespmem:s26], [sflag:s1] =	stream.indirect.gather @!p2 [hbm4b:s4+s29], $0x20, s25, s29, $0xb8;
	[tilespmem:$0xDD20] =	vst v63  }
0x60: {  	s26 =	sadd.s32 $0x1, s28  }
0x61: {  	_ =	swait.ge [sflag:s26], $0x1000  }
0x62: {  	s29 =	sshll.u32 s28, $0xC;
	[sflag:s26] =	ssyncset.done $0x0  }
0x63: {  	s25 =	sadd.s32 $0x9D20, s29;
	[sflag:s26] =	ssyncadd.s32 $0xFFFFF000  }
0x64: {  	[spmem:s2] =	stream.indirect.scatter.add.f32 [tilespmem:s25], [sflag:$0x5], $0x20, s24, s17, $0xb8;
	[tilespmem:$0xDD20] =	vst v63  }
0x65: {  	_ =	swait.ge [sflag:s16], $0x1000  }
0x66: {  	s30 =	sshll.u32 s0, $0x6;
	[sflag:s16] =	ssyncset.done $0x0  }
0x67: {  	s31 =	sshrl.u32 s6, $0x3;
	s3 =	sadd.s32 $0x1, s3;
	[sflag:s16] =	ssyncadd.s32 $0xFFFFF000  }
0x68: {  	p1 =	sne.s32 s3, s13;
	s1 =	sor.u32 $0x1C05, s30;
	[bflag:$0x0] =	sbarrier.arrive $0xFFFF  }
0x69: {  	[hbm:s14], [sflag:s1] =	dma.local [spmem:s31], $0x9C4  }
.Ltmp4:
0x6a: {  	_ = 	snop;
	(pc) =	sbr.rel @p1 .LBB2_1-.Ltmp4, $4  }
.Ltmp5:
0x6b: {  	_ = 	snop;
	(pc) =	sbr.rel @!p1 .LBB2_9-.Ltmp5, $4  }
0x6c: {  	_ =	swait.ge [sflag:s16], $0x9C4  }
0x6d: {  	[sflag:s16] =	ssyncset.done $0x0  }
0x6e: {  	[sflag:s16] =	ssyncadd.s32 $0xFFFFF63C  }
0x6f: {  	_ = 	snop  }
.LBB2_5:
.Ltmp6:
0x70: {  	(pc) =	sbr.rel .LBB2_8-.Ltmp6, $2  }
0x71: {  	_ =	sdelay $0x2  }
0x72: {  	s28 =	simm.s32 $0x1  }
.LBB2_9:
0x73: {  	_ =	sfence.sel $0x180000  }
0x74: {  	[bflag:$0x0] =	sbarrier.arrive $0xFFFF  }
0x75: {  	_ =	strace $0x9000004A  }
0x76: {  	[bflag:$0x2] =	sbarrier.arrive $0xFFFF  }
0x77: {  	p0 =	sne.s32 s0, $0x0;
	s0 =	rddreg [dreg:$0x2]  }
0x78: {  	s0 =	sadd.s32 @!p0 $0x100000, s0  }
0x79: {  	[sflag:s0] =	ssyncadd.tile.s32 @!p0 $0x1;
	_ =	shalt  }
.Lfunc_end2:
_tile_overlayer_lowered:
.L_overlay_start_2:
0x7a: {  	(tag) =	ssettag $0x2  }
0x7b: {  	s0 =	rddreg [dreg:$0x0];
	s2 =	stileid.u32  }
0x7c: {  	s1 =	rddreg [dreg:$0x1];
	p0 =	sne.s32 s2, $0x0  }
0x7d: {  	s3 =	rddreg [dreg:$0x2];
	[bflag:$0x3] =	sbarrier.arrive $0xFFFF;
	s2 =	simm.s32 @!p0 $0x1C05  }
0x7e: {  	[timem:s3], [sflag:s2] =	dma.local @!p0 [hbm:s0], s1  }
0x7f: {  	s0 =	simm.s32 @!p0 $0x5  }
0x80: {  	_ =	swait.ge @!p0 [sflag:s0], s1  }
0x81: {  	s1 =	ssub.s32 @!p0 $0x0, s1;
	[sflag:s0] =	ssyncset.done @!p0 $0x0  }
0x82: {  	[sflag:s0] =	ssyncadd.s32 @!p0 s1  }
0x83: {  	[bflag:$0x3] =	sbarrier.arrive $0xFFFF  }
0x84: {  	_ =	shalt  }

// kernel: kernel.7.cloned.1.call-start
scs
__scs_entry_jumppad:
0x0: {  	(pc) =	sbr.rel $0x88, $3  }
0x1: {  	(tag) =	ssettag $0x0;
	lr =	simm.s32 $0x1  }
0x2: {  	[smem:$0x3F95] =	sst lr;
	_ =	strace $0xD0000000  }
0x3: {  	_ = 	snop  }
0x4: {  	_ = 	snop  }
0x5: {  	_ = 	snop  }
0x6: {  	_ = 	snop  }
0x7: {  	_ = 	snop  }
__scs_overlays_trampoline_lowered:
0x8: {  	[smem:$0x3FA4] =	sst s0  }
0x9: {  	[smem:$0x3FA5] =	sst s1  }
0xa: {  	[smem:$0x3FA6] =	sst s2  }
0xb: {  	[smem:$0x3FA7] =	sst s3  }
0xc: {  	[smem:$0x3FA8] =	sst s4  }
0xd: {  	[smem:$0x3FA9] =	sst s5  }
0xe: {  	[smem:$0x3FAA] =	sst s6  }
0xf: {  	[smem:$0x3FAB] =	sst s7  }
0x10: {  	[smem:$0x3FAC] =	sst s8  }
0x11: {  	[smem:$0x3FAD] =	sst s9;
	s0 =	simm.s32 @!p0 $0x0  }
0x12: {  	s1 =	sld [smem:$0x3F93];
	s0 =	simm.s32 @p0 $0x1  }
0x13: {  	[smem:$0x3FAE] =	sst s0;
	s0 =	simm.s32 @!p1 $0x0  }
0x14: {  	s2 =	sld [smem:$0x3F92];
	s0 =	simm.s32 @p1 $0x1  }
0x15: {  	[smem:$0x3FAF] =	sst s0;
	s0 =	simm.s32 @!p2 $0x0  }
0x16: {  	s3 =	sld [smem:$0x3FDB];
	s0 =	simm.s32 @p2 $0x1  }
0x17: {  	s4 =	simm.s32 $0x1BF5;
	[smem:$0x3FB1] =	sst s0  }
0x18: {  	s0 =	sld [smem:$0x3F94];
	_ =	swait.ge [sflag:s4], $0x0  }
0x19: {  	s7 =	sld [smem:$0x3F95]  }
0x1a: {  	s8 =	sadd.s32 $0xFFFFE003, lr  }
0x1b: {  	s9 =	sadd.s32 $0xFFFFFEF7, lr;
	s5 =	simm.s32 $0xFFFFFFFF;
	p2 =	slt.u32 s8, $0xFFFFF086  }
0x1c: {  	p1 =	slt.u32 s9, $0xF7A;
	s5 =	simm.s32 @!p2 $0x0  }
0x1d: {  	s5 =	simm.s32 @p1 $0x1;
	p0 =	seq.s32 s7, s2  }
0x1e: {  	s7 =	smul.u32 @!p0 $0xF7A, s2;
	p2 =	seq.s32 @!p0 s5, $0x0  }
0x1f: {  	s9 =	smul.u32 $0xF7A, s1;
	s8 =	simm.s32 @!p0 $0x1BF5;
	p2 =	por !p2, p0  }
0x20: {  	[sflag:s8] =	ssyncset.s32 @!p0 $0xFFFFF086;
	s6 =	sadd.s32 @!p0 s3, s7;
	s7 =	simm.s32 @!p0 $0x108  }
0x21: {  	s3 =	sadd.s32 s3, s9;
	s6 =	sadd.s32 @!p0 $0x88, s6;
	s7 =	simm.s32 @p2 $0x1082  }
0x22: {  	[simem:s7], [sflag:s8] =	dma.local @!p0 [hbm:s6], $0xF7A  }
0x23: {  	s9 =	sor.u32 $0xD0000000, s2;
	s6 =	simm.s32 $0x108;
	_ =	swait.ge @!p0 [sflag:s8], $0x0  }
0x24: {  	s3 =	sadd.s32 $0x88, s3;
	s6 =	simm.s32 @!p1 $0x1082;
	[sflag:s4] =	ssyncset.s32 $0xFFFFF086  }
0x25: {  	[simem:s6], [sflag:s4] =	dma.local [hbm:s3], $0xF7A  }
0x26: {  	[smem:$0x3F95] =	sst s1;
	(tag) =	ssettag s2;
	_ =	strace s9  }
0x27: {  	s1 =	sld [smem:$0x3FA5]  }
0x28: {  	s2 =	sld [smem:$0x3FA6]  }
0x29: {  	s4 =	sld [smem:$0x3FA8]  }
0x2a: {  	p0 =	seq.s32 s5, $0x0;
	s5 =	sld [smem:$0x3FA9]  }
0x2b: {  	s6 =	sld [smem:$0x3FAA]  }
0x2c: {  	s7 =	sld [smem:$0x3FAB]  }
0x2d: {  	s3 =	simm.s32 $0x108;
	s8 =	sld [smem:$0x3FAC]  }
0x2e: {  	s3 =	simm.s32 @!p0 $0x1082;
	s9 =	sld [smem:$0x3FAD]  }
0x2f: {  	lr =	sadd.s32 s0, s3;
	s0 =	sld [smem:$0x3FA4]  }
0x30: {  	s3 =	sld [smem:$0x3FA7]  }
0x31: {  	[smem:$0x3FB0] =	sst s10  }
0x32: {  	s10 =	sld [smem:$0x3FAE];
	_ =	sdelay $0x3  }
0x33: {  	p0 =	seq.s32 s10, $0x1;
	s10 =	sld [smem:$0x3FB0];
	_ =	sdelay $0x3  }
0x34: {  	[smem:$0x3FB0] =	sst s10  }
0x35: {  	s10 =	sld [smem:$0x3FAF];
	_ =	sdelay $0x3  }
0x36: {  	p1 =	seq.s32 s10, $0x1;
	s10 =	sld [smem:$0x3FB0];
	_ =	sdelay $0x3  }
0x37: {  	[smem:$0x3FB0] =	sst s10  }
0x38: {  	s10 =	sld [smem:$0x3FB1]  }
0x39: {  	_ = 	snop;
	(pc) =	sbr.ind lr, $3  }
0x3a: {  	_ = 	snop  }
0x3b: {  	_ = 	snop  }
0x3c: {  	p2 =	seq.s32 s10, $0x1;
	s10 =	sld [smem:$0x3FB0]  }
0x3d: {  	_ =	shalt  }
0x3e: {  	_ =	shalt  }
0x3f: {  	_ =	shalt  }
0x40: {  	_ =	shalt  }
0x41: {  	_ =	shalt  }
0x42: {  	_ =	shalt  }
0x43: {  	_ =	shalt  }
0x44: {  	_ =	shalt  }
0x45: {  	_ =	shalt  }
0x46: {  	_ =	shalt  }
0x47: {  	_ =	shalt  }
0x48: {  	_ =	shalt  }
0x49: {  	_ =	shalt  }
0x4a: {  	_ =	shalt  }
0x4b: {  	_ =	shalt  }
0x4c: {  	_ =	shalt  }
0x4d: {  	_ =	shalt  }
0x4e: {  	_ =	shalt  }
0x4f: {  	_ =	shalt  }
0x50: {  	_ =	shalt  }
0x51: {  	_ =	shalt  }
0x52: {  	_ =	shalt  }
0x53: {  	_ =	shalt  }
0x54: {  	_ =	shalt  }
0x55: {  	_ =	shalt  }
0x56: {  	_ =	shalt  }
0x57: {  	_ =	shalt  }
0x58: {  	_ =	shalt  }
0x59: {  	_ =	shalt  }
0x5a: {  	_ =	shalt  }
0x5b: {  	_ =	shalt  }
0x5c: {  	_ =	shalt  }
0x5d: {  	_ =	shalt  }
0x5e: {  	_ =	shalt  }
0x5f: {  	_ =	shalt  }
0x60: {  	_ =	shalt  }
0x61: {  	_ =	shalt  }
0x62: {  	_ =	shalt  }
0x63: {  	_ =	shalt  }
0x64: {  	_ =	shalt  }
0x65: {  	_ =	shalt  }
0x66: {  	_ =	shalt  }
0x67: {  	_ =	shalt  }
0x68: {  	_ =	shalt  }
0x69: {  	_ =	shalt  }
0x6a: {  	_ =	shalt  }
0x6b: {  	_ =	shalt  }
0x6c: {  	_ =	shalt  }
0x6d: {  	_ =	shalt  }
0x6e: {  	_ =	shalt  }
0x6f: {  	_ =	shalt  }
0x70: {  	_ =	shalt  }
0x71: {  	_ =	shalt  }
0x72: {  	_ =	shalt  }
0x73: {  	_ =	shalt  }
0x74: {  	_ =	shalt  }
0x75: {  	_ =	shalt  }
0x76: {  	_ =	shalt  }
0x77: {  	_ =	shalt  }
0x78: {  	_ =	shalt  }
0x79: {  	_ =	shalt  }
0x7a: {  	_ =	shalt  }
0x7b: {  	_ =	shalt  }
0x7c: {  	_ =	shalt  }
0x7d: {  	_ =	shalt  }
0x7e: {  	_ =	shalt  }
0x7f: {  	_ =	shalt  }
0x80: {  	_ =	shalt  }
0x81: {  	_ =	shalt  }
0x82: {  	_ =	shalt  }
0x83: {  	_ =	shalt  }
0x84: {  	_ =	shalt  }
0x85: {  	_ =	shalt  }
0x86: {  	_ =	shalt  }
0x87: {  	_ =	shalt  }
.Lfunc_end0:
.L_simem_size_0:
called_computation_lowered:
.L_overlay_start_0:
0x88: {  	s2 =	sld [smem:$0x3FD9]  }
0x89: {  	s3 =	sld [smem:$0x3FFE];
	_ =	sdelay $0x1  }
0x8a: {  	s1 =	srdreg.scid  }
0x8b: {  	s0 =	sand.u32 $0x1, s1  }
0x8c: {  	s16 =	sshll.u32 s0, $0xA;
	s2 =	sadd.s32 s3, s2  }
0x8d: {  	s2 =	sadd.s32 s2, s16  }
0x8e: {  	[smem:$0x3FBC] =	sst s2  }
0x8f: {  	_ = 	snop  }
0x90: {  	(tm) =	ssettm $0x1  }
0x91: {  	s17 =	sld [smem:$0x3FFB];
	_ =	sdelay $0x3  }
0x92: {  	_ =	strace s17  }
0x93: {  	s2 =	sld [smem:$0x3FFC];
	_ =	sdelay $0x3  }
0x94: {  	_ =	strace s2  }
0x95: {  	s2 =	sld [smem:$0x3FFD];
	_ =	sdelay $0x3  }
0x96: {  	_ =	strace s2  }
0x97: {  	_ =	strace $0x8FFFFFFF  }
0x98: {  	s18 =	sld [smem:$0x3FDB];
	_ =	sdelay $0x1  }
0x99: {  	s19 =	simm.s32 $_scs_section_size  }
0x9a: {  	s4 =	simm.s32 $_size__tile_overlayer_lowered;
	s5 =	simm.s32 $_tile_overlayer_lowered  }
0x9b: {  	s22 =	simm.s32 $0x1BFF;
	s21 =	sshll.u32 s5, $0x1;
	s2 =	sadd.s32 s19, s18  }
0x9c: {  	s6 =	simm.s32 $0x0;
	s20 =	sshll.u32 s4, $0x1;
	s4 =	sadd.s32 s21, s2  }
0x9d: {  	[timem:s6], [sflag:s22] =	dma.local [hbm:s4], s20  }
0x9e: {  	_ =	swait.ge [sflag:s22], s20  }
0x9f: {  	s3 =	ssub.s32 $0x0, s20;
	[sflag:s22] =	ssyncset.done $0x0  }
0xa0: {  	[sflag:s22] =	ssyncadd.s32 s3;
	_ =	sdelay $0x1  }
0xa1: {  	s23 =	simm.s32 $0x1B8B  }
0xa2: {  	_ =	swait.ge [sflag:s23], $0x1  }
0xa3: {  	[sflag:s23] =	ssyncset.done $0x0  }
0xa4: {  	s25 =	simm.s32 $0x1B8E;
	s24 =	sld [smem:$0x3FFE];
	[sflag:s23] =	ssyncadd.s32 $0xFFFFFFFF  }
0xa5: {  	s26 =	simm.s32 $execute0_lowered;
	[smem:$0x3FD2] =	sst s25  }
0xa6: {  	s4 =	sshll.u32 s26, $0x1;
	_ =	strace $0x80000046;
	[dreg:$0x1] =	wrdreg $0xFFFFFFFF  }
0xa7: {  	s28 =	simm.s32 $_size_execute0_lowered;
	s2 =	sadd.s32 s2, s4;
	[dreg:$0x0] =	wrdreg $0x0  }
0xa8: {  	s4 =	sshll.u32 s28, $0x1;
	[dreg:$0x2] =	wrdreg s2  }
0xa9: {  	[dreg:$0x3] =	wrdreg s4  }
0xaa: {  	[dreg:$0x4] =	wrdreg $0xC0  }
0xab: {  	_ =	task [dreg:s6], $0x5FFFF  }
0xac: {  	[dreg:$0x1] =	wrdreg $0xFFFFFFFF  }
0xad: {  	[dreg:$0x0] =	wrdreg $0x60  }
0xae: {  	[dreg:$0x2] =	wrdreg s24  }
0xaf: {  	[dreg:$0x3] =	wrdreg $0x0  }
0xb0: {  	[dreg:$0x4] =	wrdreg $0x9  }
0xb1: {  	_ =	task.clear_ibuf [dreg:s6], $0x5FFFF;
	_ =	strace $0x90000046  }
0xb2: {  	s29 =	simm.s32 $0x9;
	_ =	strace $0x80000048  }
0xb3: {  	_ =	swait.ge [sflag:s29], $0x1  }
0xb4: {  	[sflag:s29] =	ssyncadd.s32 $0xFFFFFFFF  }
0xb5: {  	_ =	strace $0x90000048  }
0xb6: {  	_ =	sfence  }
0xb7: {  	s30 =	sld [smem:$0x0];
	_ =	sdelay $0x2  }
0xb8: {  	s31 =	sshll.u32 s1, $0xD;
	s1 =	sshrl.u32 s1, $0x2  }
0xb9: {  	s3 =	sand.u32 $0x4000, s31;
	s1 =	sadd.s32 s1, s30  }
0xba: {  	s0 =	sor.u32 s3, s0;
	s1 =	sshll.u32 s1, $0x11  }
0xbb: {  	s0 =	sor.u32 s1, s0  }
0xbc: {  	s0 =	sadd.s32 $0x8F2B, s0  }
0xbd: {  	[sflag:s0] =	ssyncadd.remote.s32 $0x1  }
0xbe: {  	_ =	sfence.sel $0xFFFF  }
0xbf: {  	[dreg:$0x0] =	wrdreg $0xFFFFFFFF;
	(pc) =	sbr.abs _section_cstart, $3  }
0xc0: {  	[dreg:$0x1] =	wrdreg $0xFFFFFFFF  }
0xc1: {  	_ =	task.clear_ibuf [dreg:s6], $0x2FFFF;
	_ =	strace $0x9FFFFFFF  }
0xc2: {  	(tm) =	ssettm $0x7FFFFFFF  }
0xc3: {  	_ =	shalt  }
tec
execute0_lowered:
.L_overlay_start_1:
0x0: {  	(tag) =	ssettag $0x1  }
0x1: {  	s0 =	srdreg.scid;
	s13 =	rddreg [dreg:$0x0]  }
0x2: {  	s2 =	rddreg [dreg:$0x1];
	s3 =	simm.s32 $0x0;
	s17 =	simm.s32 $0x2A000  }
0x3: {  	s18 =	simm.s32 $0x4E20;
	s19 =	simm.s32 $0x9D20;
	s20 =	simm.s32 $0x4EA0  }
0x4: {  	s21 =	simm.s32 $0xAD20;
	s22 =	simm.s32 $0x4F20;
	s23 =	simm.s32 $0xBD20  }
0x5: {  	s10 =	sand.u32 $0x1, s0;
	s0 =	stileid.u32;
	[smem:$0x7FF] =	sst s3  }
0x6: {  	s4 =	sadd.s32 $0x16400, s13;
	s1 =	sshll.u32 s10, $0x4;
	s7 =	smul.u32 $0x13880, s0  }
0x7: {  	s31 =	ssub.s32 $0x2, s10;
	s14 =	smul.u32 $0x4E20, s0;
	s15 =	sor.u32 s0, s1  }
0x8: {  	_ =	strace $0x80000047;
	s8 =	sshrl.u32 s31, $0x1;
	s5 =	smul.u32 $0x4E, s15  }
0x9: {  	s6 =	smin.u32 s15, $0x4;
	p0 =	slt.u32 s15, $0x4;
	s7 =	sshrl.u32 s7, $0x2  }
0xa: {  	s16 =	ssub.s32 s31, s8;
	s11 =	sadd.s32 s7, s2;
	s5 =	sadd.s32 s6, s5  }
0xb: {  	s6 =	sadd.s32 s14, s2;
	s7 =	sadd.s32 $0x1000, s11;
	s5 =	sshll.u32 s5, $0x4  }
0xc: {  	s8 =	sadd.s32 $0x2000, s11;
	s12 =	sadd.s32 s5, s13;
	s5 =	simm.s32 $0x4F  }
0xd: {  	s9 =	sadd.s32 $0x3000, s11;
	s14 =	sshrl.u32 s14, $0x3;
	s5 =	simm.s32 @!p0 $0x4E  }
0xe: {  	p0 =	seq.s32 s10, $0x1;
	s10 =	sadd.s32 $0x4000, s11;
	s11 =	sadd.s32 $0xC600, s12  }
0xf: {  	s12 =	sadd.s32 $0x2800, s12;
	s17 =	simm.s32 @!p0 $0x20200;
	p0 =	sgt.u32 s15, $0x3  }
0x10: {  	s15 =	simm.s32 $0xCD20;
	s17 =	sadd.s32 s17, s13;
	s13 =	smax.u32 s16, $0x1  }
0x11: {  	v0 =	vimm.f32 $0.0e+00;
	s16 =	simm.s32 $0x5;
	s14 =	sadd.s32 s17, s14;
	s17 =	simm.s32 $0x80  }
.LBB2_1:
0x12: {  	s24 =	simm.s32 $0x80;
	s25 =	simm.s32 $0x0  }
.LBB2_2:
0x13: {  	p1 =	sne.s32 s24, $0x3F80;
	[tilespmem:s25+$0xCD20] =	vst v0;
	s26 =	smov.u32 s24;
	s24 =	sadd.s32 $0x80, s24  }
.Ltmp0:
0x14: {  	[tilespmem:s25+$0xCD30] =	vst v0;
	(pc) =	sbr.rel @p1 .LBB2_2-.Ltmp0, $2  }
0x15: {  	_ =	sdelay $0x2  }
0x16: {  	s25 =	sshra.s32 s26, $0x2  }
0x17: {  	[tilespmem:s25+$0xCD20] =	vst v0  }
0x18: {  	[tilespmem:s25+$0xCD30] =	vst v0  }
0x19: {  	[spmem:s6] =	stream.linear.scatter [tilespmem:s15], [sflag:$0x5], $0x1000, $0x38;
	[tilespmem:$0xDD20] =	vst v63  }
0x1a: {  	_ =	swait.ge [sflag:s16], $0x1000  }
0x1b: {  	[sflag:s16] =	ssyncset.done $0x0  }
0x1c: {  	[sflag:s16] =	ssyncadd.s32 $0xFFFFF000  }
0x1d: {  	[spmem:s7] =	stream.linear.scatter [tilespmem:s15], [sflag:$0x5], $0x1000, $0x38;
	[tilespmem:$0xDD20] =	vst v63  }
0x1e: {  	_ =	swait.ge [sflag:s16], $0x1000  }
0x1f: {  	[sflag:s16] =	ssyncset.done $0x0  }
0x20: {  	[sflag:s16] =	ssyncadd.s32 $0xFFFFF000  }
0x21: {  	[spmem:s8] =	stream.linear.scatter [tilespmem:s15], [sflag:$0x5], $0x1000, $0x38;
	[tilespmem:$0xDD20] =	vst v63  }
0x22: {  	_ =	swait.ge [sflag:s16], $0x1000  }
0x23: {  	[sflag:s16] =	ssyncset.done $0x0  }
0x24: {  	[sflag:s16] =	ssyncadd.s32 $0xFFFFF000  }
0x25: {  	[spmem:s9] =	stream.linear.scatter [tilespmem:s15], [sflag:$0x5], $0x1000, $0x38;
	[tilespmem:$0xDD20] =	vst v63  }
0x26: {  	_ =	swait.ge [sflag:s16], $0x1000  }
0x27: {  	[sflag:s16] =	ssyncset.done $0x0  }
0x28: {  	[sflag:s16] =	ssyncadd.s32 $0xFFFFF000  }
0x29: {  	[spmem:s10] =	stream.linear.scatter [tilespmem:s15], [sflag:$0x5], $0xE20, $0x38;
	[tilespmem:$0xDD20] =	vst v63  }
0x2a: {  	_ =	swait.ge [sflag:s16], $0xE20  }
0x2b: {  	[sflag:s16] =	ssyncset.done $0x0  }
0x2c: {  	s24 =	simm.s32 @p0 $0x0;
	s25 =	simm.s32 @p0 $0x4E20;
	[sflag:s16] =	ssyncadd.s32 $0xFFFFF1E0  }
0x2d: {  	[tilespmem:s25], [sflag:$0x5] =	stream.linear.gather @p0 [hbm4b:s11+s24], $0x2700, $0x38;
	[tilespmem:$0xDD20] =	vst v63  }
0x2e: {  	s25 =	simm.s32 @p0 $0x5  }
0x2f: {  	_ =	swait.ge @p0 [sflag:s25], $0x2700  }
0x30: {  	[sflag:s25] =	ssyncset.done @p0 $0x0  }
0x31: {  	s26 =	simm.s32 @p0 $0x75A0;
	[sflag:s25] =	ssyncadd.s32 @p0 $0xFFFFD900  }
0x32: {  	[tilespmem:s26], [sflag:$0x5] =	stream.linear.gather @p0 [hbm4b:s12+s24], $0x2700, $0x38;
	[tilespmem:$0xDD20] =	vst v63  }
0x33: {  	_ =	swait.ge @p0 [sflag:s25], $0x2700  }
0x34: {  	[sflag:s25] =	ssyncset.done @p0 $0x0  }
0x35: {  	s24 =	simm.s32 @!p0 $0x0;
	[sflag:s25] =	ssyncadd.s32 @p0 $0xFFFFD900;
	s25 =	simm.s32 @!p0 $0x4E20  }
0x36: {  	[tilespmem:s25], [sflag:$0x5] =	stream.linear.gather @!p0 [hbm4b:s11+s24], $0x2780, $0x38;
	[tilespmem:$0xDD20] =	vst v63  }
0x37: {  	s25 =	simm.s32 @!p0 $0x5  }
0x38: {  	_ =	swait.ge @!p0 [sflag:s25], $0x2780  }
0x39: {  	[sflag:s25] =	ssyncset.done @!p0 $0x0  }
0x3a: {  	s26 =	simm.s32 @!p0 $0x75A0;
	[sflag:s25] =	ssyncadd.s32 @!p0 $0xFFFFD880  }
0x3b: {  	[tilespmem:s26], [sflag:$0x5] =	stream.linear.gather @!p0 [hbm4b:s12+s24], $0x2780, $0x38;
	[tilespmem:$0xDD20] =	vst v63  }
0x3c: {  	_ =	swait.ge @!p0 [sflag:s25], $0x2780  }
0x3d: {  	[sflag:s25] =	ssyncset.done @!p0 $0x0  }
0x3e: {  	[sflag:s25] =	ssyncadd.s32 @!p0 $0xFFFFD880  }
0x3f: {  	p3 =	sne.s32 s5, $0x1;
	[bflag:$0x0] =	sbarrier.arrive $0xFFFF  }
0x40: {  	[tilespmem:s19], [sflag:$0x1] =	stream.indirect.gather [hbm4b:s4+s17], $0x20, s18, s17, $0xb8;
	[tilespmem:$0xDD20] =	vst v63  }
.Ltmp1:
0x41: {  	s28 =	simm.s32 $0x0;
	(pc) =	sbr.rel @!p3 .LBB2_8-.Ltmp1, $4  }
0x42: {  	s29 =	simm.s32 $0x3;
	p2 =	sle.u32 s5, $0x3;
	p1 =	por $0x0, $0x0  }
0x43: {  	[tilespmem:s21], [sflag:$0x2] =	stream.indirect.gather [hbm4b:s4+s17], $0x20, s20, s17, $0xb8;
	[tilespmem:$0xDD20] =	vst v63  }
0x44: {  	s24 =	simm.s32 $0x75A0;
	s26 =	simm.s32 $0x1;
	s25 =	simm.s32 $0x4FA0  }
0x45: {  	[tilespmem:s23], [sflag:$0x3] =	stream.indirect.gather [hbm4b:s4+s17], $0x20, s22, s17, $0xb8;
	[tilespmem:$0xDD20] =	vst v63  }
0x46: {  	s29 =	sand.u32 @!p2 $0x3, s29  }
0x47: {  	s31 =	simm.s32 @!p2 $0x80;
	s30 =	sshll.u32 @!p2 s29, $0xC  }
0x48: {  	s1 =	sand.u32 $0x3, s28;
	s29 =	sadd.s32 @!p2 $0x1, s29;
	s30 =	sadd.s32 @!p2 $0x9D20, s30  }
0x49: {  	[tilespmem:s30], [sflag:s29] =	stream.indirect.gather @!p2 [hbm4b:s4+s31], $0x20, s25, s31, $0xb8;
	[tilespmem:$0xDD20] =	vst v63  }
0x4a: {  	s28 =	simm.s32 $0x2;
	p3 =	sne.s32 s5, $0x2;
	s31 =	sadd.s32 $0x1, s1  }
.Ltmp2:
0x4b: {  	p1 =	por $0x1, $0x1;
	_ =	swait.ge [sflag:s31], $0x1000;
	(pc) =	sbr.rel @!p3 .LBB2_5-.Ltmp2, $4  }
0x4c: {  	s1 =	sshll.u32 s1, $0xC;
	s29 =	simm.s32 $0x4;
	[sflag:s31] =	ssyncset.done $0x0  }
0x4d: {  	s25 =	simm.s32 $0x5020;
	s1 =	sadd.s32 $0x9D20, s1;
	[sflag:s31] =	ssyncadd.s32 $0xFFFFF000  }
0x4e: {  	[spmem:s2] =	stream.indirect.scatter.add.f32 [tilespmem:s1], [sflag:$0x5], $0x20, s24, s17, $0xb8;
	[tilespmem:$0xDD20] =	vst v63  }
0x4f: {  	p2 =	sle.u32 s5, $0x4;
	s24 =	simm.s32 $0x7620;
	_ =	swait.ge [sflag:s16], $0x1000  }
.LBB2_6:
0x50: {  	s1 =	sand.u32 @!p2 $0x3, s29  }
0x51: {  	[sflag:s16] =	ssyncset.done $0x0;
	s29 =	smov.u32 s28;
	s28 =	sadd.s32 $0x1, s28  }
0x52: {  	s30 =	sshll.u32 @!p2 s1, $0xC;
	s1 =	sadd.s32 @!p2 $0x1, s1;
	[sflag:s16] =	ssyncadd.s32 $0xFFFFF000  }
0x53: {  	s31 =	simm.s32 @!p2 $0x80;
	s26 =	sand.u32 $0x3, s26;
	s30 =	sadd.s32 @!p2 $0x9D20, s30  }
0x54: {  	[tilespmem:s30], [sflag:s1] =	stream.indirect.gather @!p2 [hbm4b:s4+s31], $0x20, s25, s31, $0xb8;
	[tilespmem:$0xDD20] =	vst v63  }
0x55: {  	p3 =	sne.s32 s5, s28;
	s1 =	sshll.u32 s26, $0xC;
	s30 =	sadd.s32 $0x1, s26  }
.Ltmp3:
0x56: {  	s26 =	smov.u32 s29;
	_ =	swait.ge [sflag:s30], $0x1000;
	(pc) =	sbr.rel @p3 .LBB2_6-.Ltmp3, $4  }
0x57: {  	s1 =	sadd.s32 $0x9D20, s1;
	[sflag:s30] =	ssyncset.done $0x0  }
0x58: {  	s25 =	sadd.s32 $0x80, s25;
	s29 =	sadd.s32 $0x3, s26;
	[sflag:s30] =	ssyncadd.s32 $0xFFFFF000  }
0x59: {  	[spmem:s2] =	stream.indirect.scatter.add.f32 [tilespmem:s1], [sflag:$0x5], $0x20, s24, s17, $0xb8;
	[tilespmem:$0xDD20] =	vst v63  }
0x5a: {  	p2 =	sge.u32 s29, s5;
	s24 =	sadd.s32 $0x80, s24;
	_ =	swait.ge [sflag:s16], $0x1000  }
0x5b: {  	s28 =	smov.u32 s26  }
.LBB2_8:
0x5c: {  	s1 =	sand.u32 @!p2 $0x3, s29;
	[sflag:s16] =	ssyncset.done @p1 $0x0  }
0x5d: {  	s29 =	simm.s32 @!p2 $0x80;
	s28 =	sand.u32 $0x3, s28;
	s26 =	sshll.u32 @!p2 s1, $0xC  }
0x5e: {  	s1 =	sadd.s32 @!p2 $0x1, s1;
	[sflag:s16] =	ssyncadd.s32 @p1 $0xFFFFF000;
	s26 =	sadd.s32 @!p2 $0x9D20, s26  }
0x5f: {  	[tilespmem:s26], [sflag:s1] =	stream.indirect.gather @!p2 [hbm4b:s4+s29], $0x20, s25, s29, $0xb8;
	[tilespmem:$0xDD20] =	vst v63  }
0x60: {  	s26 =	sadd.s32 $0x1, s28  }
0x61: {  	_ =	swait.ge [sflag:s26], $0x1000  }
0x62: {  	s29 =	sshll.u32 s28, $0xC;
	[sflag:s26] =	ssyncset.done $0x0  }
0x63: {  	s25 =	sadd.s32 $0x9D20, s29;
	[sflag:s26] =	ssyncadd.s32 $0xFFFFF000  }
0x64: {  	[spmem:s2] =	stream.indirect.scatter.add.f32 [tilespmem:s25], [sflag:$0x5], $0x20, s24, s17, $0xb8;
	[tilespmem:$0xDD20] =	vst v63  }
0x65: {  	_ =	swait.ge [sflag:s16], $0x1000  }
0x66: {  	s30 =	sshll.u32 s0, $0x6;
	[sflag:s16] =	ssyncset.done $0x0  }
0x67: {  	s31 =	sshrl.u32 s6, $0x3;
	s3 =	sadd.s32 $0x1, s3;
	[sflag:s16] =	ssyncadd.s32 $0xFFFFF000  }
0x68: {  	p1 =	sne.s32 s3, s13;
	s1 =	sor.u32 $0x1C05, s30;
	[bflag:$0x0] =	sbarrier.arrive $0xFFFF  }
0x69: {  	[hbm:s14], [sflag:s1] =	dma.local [spmem:s31], $0x9C4  }
.Ltmp4:
0x6a: {  	_ = 	snop;
	(pc) =	sbr.rel @p1 .LBB2_1-.Ltmp4, $4  }
.Ltmp5:
0x6b: {  	_ = 	snop;
	(pc) =	sbr.rel @!p1 .LBB2_9-.Ltmp5, $4  }
0x6c: {  	_ =	swait.ge [sflag:s16], $0x9C4  }
0x6d: {  	[sflag:s16] =	ssyncset.done $0x0  }
0x6e: {  	[sflag:s16] =	ssyncadd.s32 $0xFFFFF63C  }
0x6f: {  	_ = 	snop  }
.LBB2_5:
.Ltmp6:
0x70: {  	(pc) =	sbr.rel .LBB2_8-.Ltmp6, $2  }
0x71: {  	_ =	sdelay $0x2  }
0x72: {  	s28 =	simm.s32 $0x1  }
.LBB2_9:
0x73: {  	_ =	sfence.sel $0x180000  }
0x74: {  	[bflag:$0x0] =	sbarrier.arrive $0xFFFF  }
0x75: {  	_ =	strace $0x90000047  }
0x76: {  	[bflag:$0x2] =	sbarrier.arrive $0xFFFF  }
0x77: {  	p0 =	sne.s32 s0, $0x0;
	s0 =	rddreg [dreg:$0x2]  }
0x78: {  	s0 =	sadd.s32 @!p0 $0x100000, s0  }
0x79: {  	[sflag:s0] =	ssyncadd.tile.s32 @!p0 $0x1;
	_ =	shalt  }
.Lfunc_end2:
_tile_overlayer_lowered:
.L_overlay_start_2:
0x7a: {  	(tag) =	ssettag $0x2  }
0x7b: {  	s0 =	rddreg [dreg:$0x0];
	s2 =	stileid.u32  }
0x7c: {  	s1 =	rddreg [dreg:$0x1];
	p0 =	sne.s32 s2, $0x0  }
0x7d: {  	s3 =	rddreg [dreg:$0x2];
	[bflag:$0x3] =	sbarrier.arrive $0xFFFF;
	s2 =	simm.s32 @!p0 $0x1C05  }
0x7e: {  	[timem:s3], [sflag:s2] =	dma.local @!p0 [hbm:s0], s1  }
0x7f: {  	s0 =	simm.s32 @!p0 $0x5  }
0x80: {  	_ =	swait.ge @!p0 [sflag:s0], s1  }
0x81: {  	s1 =	ssub.s32 @!p0 $0x0, s1;
	[sflag:s0] =	ssyncset.done @!p0 $0x0  }
0x82: {  	[sflag:s0] =	ssyncadd.s32 @!p0 s1  }
0x83: {  	[bflag:$0x3] =	sbarrier.arrive $0xFFFF  }
0x84: {  	_ =	shalt  }

</sc_bundles>
